<compile_context>
chip_gen: v7x
topology: tpu7x:2x2x1
jax: 0.10.2.dev20260603
libtpu: 0.0.44.dev20260713+nightly
codegen_flags: <defaults>
</compile_context>

<pallas_src>
import functools

import jax
import jax.numpy as jnp
from jax import lax
from jax.experimental import pallas as pl
from jax.experimental.pallas import tpu as pltpu
from jax.experimental.pallas import tpu_sc as plsc

B = 4096
HIST = 200
D = 64
V = 1000000
NC = 2
NS = 16
NW = NC * NS
BPW = B // NW
CHUNK = 40
NCHUNK = HIST // CHUNK
NLANE = 16
NVREG = D // NLANE
HISTP = 256

BLK = 128
FULLBLK = V // BLK
TAIL = V - FULLBLK * BLK
BLK_PER_W = -(-FULLBLK // NW)


def _tr_body(tt_hbm, out_hbm, in_a, in_b, tail_in, out_a, out_b, tail_out,
             sem_ia, sem_ib, sem_oa, sem_ob):
  cid = lax.axis_index("c")
  sid = lax.axis_index("s")
  wid = sid * NC + cid
  base = wid * BLK_PER_W
  nblk = jnp.minimum(BLK_PER_W, jnp.maximum(0, FULLBLK - base))

  ins = (in_a, in_b)
  outs = (out_a, out_b)
  sem_i = (sem_ia, sem_ib)
  sem_o = (sem_oa, sem_ob)
  lanes = lax.broadcasted_iota(jnp.int32, (NLANE,), 0)

  def start_in(t, s):
    @pl.when(t < nblk)
    def _():
      pltpu.async_copy(tt_hbm.at[:, pl.ds((base + t) * BLK, BLK)],
                       ins[s], sem_i[s])

  def wait_in(s):
    pltpu.make_async_copy(tt_hbm.at[:, pl.ds(0, BLK)], ins[s], sem_i[s]).wait()

  def wait_out(s):
    pltpu.make_async_copy(outs[s], out_hbm.at[pl.ds(0, BLK * D)],
                          sem_o[s]).wait()

  iota64 = D * lanes

  def transpose(s):
    def drow(d):
      vbase = iota64 + ((d + lanes) & 15) + (d - (d & 15))
      for g in range(BLK // NLANE):
        vec = ins[s][d, pl.ds(g * NLANE, NLANE)]
        plsc.store_scatter(outs[s], [vbase + g * (NLANE * D)], vec)
    plsc.parallel_loop(0, D, unroll=4)(drow)

  start_in(0, 0)

  def body(p, _):
    for sbuf in range(2):
      t = 2 * p + sbuf

      @pl.when(t < nblk)
      def _():
        start_in(t + 1, 1 - sbuf)
        wait_in(sbuf)

        @pl.when(t >= 2)
        def _():
          wait_out(sbuf)

        transpose(sbuf)
        pltpu.async_copy(outs[sbuf],
                         out_hbm.at[pl.ds((base + t) * BLK * D, BLK * D)],
                         sem_o[sbuf])
    return 0

  lax.fori_loop(0, (BLK_PER_W + 1) // 2, body, 0)
  wait_out(0)
  wait_out(1)

  @pl.when(wid == NW - 1)
  def _():
    pltpu.sync_copy(tt_hbm.at[:, pl.ds(FULLBLK * BLK, TAIL)], tail_in)

    def drow(d, _):
      vbase = iota64 + ((d + lanes) & 15) + (d - (d & 15))
      for g in range(TAIL // NLANE):
        vec = tail_in[d, pl.ds(g * NLANE, NLANE)]
        plsc.store_scatter(tail_out, [vbase + g * (NLANE * D)], vec)
      return 0
    lax.fori_loop(0, D, drow, 0)
    pltpu.sync_copy(tail_out, out_hbm.at[pl.ds(FULLBLK * BLK * D, TAIL * D)])


@functools.partial(jax.jit, static_argnums=())
def _sc_transpose(table_t):
  mesh = plsc.VectorSubcoreMesh(core_axis_name="c", subcore_axis_name="s")
  return pl.kernel(
      _tr_body,
      out_type=jax.ShapeDtypeStruct((V * D,), jnp.float32),
      mesh=mesh,
      compiler_params=pltpu.CompilerParams(use_tc_tiling_on_sc=True,
                                           needs_layout_passes=False),
      scratch_types=(
          [pltpu.VMEM((D, BLK), jnp.float32) for _ in range(2)]
          + [pltpu.VMEM((D, TAIL), jnp.float32)]
          + [pltpu.VMEM((BLK * D,), jnp.float32) for _ in range(2)]
          + [pltpu.VMEM((TAIL * D,), jnp.float32)]
          + [pltpu.SemaphoreType.DMA] * 4
      ),
  )(table_t)


def _sc_body(idx_hbm, table_hbm, out_hbm, idx_v, *rest):
  rows_flat = rest[:2 * NCHUNK]
  out_v = rest[2 * NCHUNK]
  sems = rest[2 * NCHUNK + 1:]
  rows = (rows_flat[:NCHUNK], rows_flat[NCHUNK:])

  cid = lax.axis_index("c")
  sid = lax.axis_index("s")
  wid = sid * NC + cid
  base = wid * BPW

  pltpu.sync_copy(idx_hbm.at[pl.ds(base, BPW)], idx_v)

  def start_row(i, s):
    for c in range(NCHUNK):
      pltpu.async_copy(
          table_hbm.at[idx_v.at[i, pl.ds(c * CHUNK, CHUNK)]],
          rows[s][c], sems[s])

  def wait_row(s):
    for c in range(NCHUNK):
      pltpu.make_async_copy(
          table_hbm.at[pl.ds(0, CHUNK)], rows[s][c], sems[s]).wait()

  lanes = lax.broadcasted_iota(jnp.int32, (NLANE,), 0)

  def accum_store(i, s):
    zeros = tuple(jnp.zeros((NLANE,), jnp.float32) for _ in range(NVREG))
    ivec = jnp.full((NLANE,), i, jnp.int32)

    def inner(j, acc):
      jvec = jnp.full((NLANE,), j, jnp.int32)
      for c in range(NCHUNK):
        rot = plsc.load_gather(idx_v, [ivec,
                                       jnp.full((NLANE,), c * CHUNK + j,
                                                jnp.int32)]) & 15
        perm = (lanes + rot) & 15
        acc = tuple(
            acc[k] + plsc.load_gather(rows[s][c], [jvec, k * NLANE + perm])
            for k in range(NVREG))
      return acc
    acc = lax.fori_loop(0, CHUNK, inner, zeros)
    scale = jnp.float32(1.0 / HIST)
    for k in range(NVREG):
      out_v[i, pl.ds(k * NLANE, NLANE)] = acc[k] * scale

  start_row(0, 0)

  def body(p, _):
    i0 = 2 * p
    start_row(i0 + 1, 1)
    wait_row(0)
    accum_store(i0, 0)

    @pl.when(i0 + 2 < BPW)
    def _():
      start_row(i0 + 2, 0)

    wait_row(1)
    accum_store(i0 + 1, 1)
    return 0

  lax.fori_loop(0, BPW // 2, body, 0)
  pltpu.sync_copy(out_v, out_hbm.at[pl.ds(base, BPW)])


@functools.partial(jax.jit, static_argnums=())
def _sc_gather_mean(idx2d, table):
  mesh = plsc.VectorSubcoreMesh(core_axis_name="c", subcore_axis_name="s")
  return pl.kernel(
      _sc_body,
      out_type=jax.ShapeDtypeStruct((B, D), jnp.float32),
      mesh=mesh,
      compiler_params=pltpu.CompilerParams(use_tc_tiling_on_sc=False,
                                           needs_layout_passes=False),
      scratch_types=(
          [pltpu.VMEM((BPW, HISTP), jnp.int32)]
          + [pltpu.VMEM((CHUNK, D), jnp.float32) for _ in range(2 * NCHUNK)]
          + [pltpu.VMEM((BPW, D), jnp.float32)]
          + [pltpu.SemaphoreType.DMA] * 2
      ),
  )(idx2d, table)


def _mlp_body(x_ref, w1_ref, b1_ref, w2_ref, b2_ref, o_ref):
  x = x_ref[...]
  h = jnp.dot(x, w1_ref[...], preferred_element_type=jnp.float32)
  h = jnp.maximum(h + b1_ref[...], 0.0)
  o_ref[...] = jnp.dot(h, w2_ref[...],
                       preferred_element_type=jnp.float32) + b2_ref[...]


def _mlp(avg, W1, b1, W2, b2):
  return pl.pallas_call(
      _mlp_body,
      out_shape=jax.ShapeDtypeStruct((B, b2.shape[-1]), jnp.float32),
  )(avg, W1, b1, W2, b2)


def kernel(word_indices, table, W1, b1, W2, b2):
  idx_pad = jnp.pad(word_indices.astype(jnp.int32), ((0, 0), (0, HISTP - HIST)))
  table_flat = _sc_transpose(table.T)
  avg = _sc_gather_mean(idx_pad, table_flat.reshape(V, D))
  return _mlp(avg, W1, b1.reshape(1, -1), W2, b2.reshape(1, -1))

# --- scband reference (transcript-rebuilt; emitter-appended) ---
"""Pipeline reference for scband-deep-averaging-network-46557445489354 (READ-ONLY COPY).

The authoritative reference and input builder live on the scoring server;
editing this copy changes nothing except your own understanding.
"""

import jax, jax.numpy as jnp
import numpy as np

VOCAB = 1000000
EMBED_DIM = 64
HIDDEN = 200
NUM_LABELS = 2
BATCH = 4096
HIST = 200


def setup_inputs(seed: int = 0) -> dict:
    key = jax.random.key(seed)
    k_idx, k_tab, k_w1, k_b1, k_w2, k_b2 = jax.random.split(key, 6)
    word_indices = jax.random.randint(k_idx, (BATCH, HIST), 0, VOCAB, dtype=jnp.int64 if jax.config.jax_enable_x64 else jnp.int32)
    table = jax.random.normal(k_tab, (VOCAB, EMBED_DIM), dtype=jnp.float32) * 0.02
    W1 = jax.random.normal(k_w1, (EMBED_DIM, HIDDEN), dtype=jnp.float32) * (1.0 / np.sqrt(EMBED_DIM))
    b1 = jax.random.normal(k_b1, (HIDDEN,), dtype=jnp.float32) * 0.01
    W2 = jax.random.normal(k_w2, (HIDDEN, NUM_LABELS), dtype=jnp.float32) * (1.0 / np.sqrt(HIDDEN))
    b2 = jax.random.normal(k_b2, (NUM_LABELS,), dtype=jnp.float32) * 0.01
    return {"word_indices": word_indices, "table": table, "W1": W1, "b1": b1, "W2": W2, "b2": b2}


def reference(word_indices, table, W1, b1, W2, b2):
    # embedding lookup (gather)
    embeds = jnp.take(table, word_indices, axis=0)  # [B, L, D]
    avg_embed = jnp.mean(embeds, axis=1)            # [B, D]
    h = jax.nn.relu(avg_embed @ W1 + b1)            # [B, H]
    logits = h @ W2 + b2                            # [B, num_labels]
    return logits

if __name__ == "__main__":
    import jax
    _d = setup_inputs()
    print(jax.jit(kernel)(*tuple(_d.values())))

</pallas_src>

<mosaic_0001>
#map = affine_map<(d0, d1) -> (0, 0)>
#map1 = affine_map<(d0, d1) -> (0)>
module attributes {stable_mosaic.version = 14 : i64} {
  func.func @_tr_body(%arg0: i32, %arg1: i32, %arg2: memref<64x1000000xf32, #tpu.memory_space<hbm>>, %arg3: memref<64000000xf32, #tpu.memory_space<hbm>>, %arg4: memref<64x128xf32, #tpu.memory_space<vmem>>, %arg5: memref<64x128xf32, #tpu.memory_space<vmem>>, %arg6: memref<64x64xf32, #tpu.memory_space<vmem>>, %arg7: memref<8192xf32, #tpu.memory_space<vmem>>, %arg8: memref<8192xf32, #tpu.memory_space<vmem>>, %arg9: memref<4096xf32, #tpu.memory_space<vmem>>, %arg10: memref<!tpu.dma_semaphore, #tpu.memory_space<semaphore_mem>>, %arg11: memref<!tpu.dma_semaphore, #tpu.memory_space<semaphore_mem>>, %arg12: memref<!tpu.dma_semaphore, #tpu.memory_space<semaphore_mem>>, %arg13: memref<!tpu.dma_semaphore, #tpu.memory_space<semaphore_mem>>) attributes {dimension_semantics = [#tpu.dimension_semantics<core_parallel>, #tpu.dimension_semantics<subcore_parallel>], iteration_bounds = array<i64: 2, 16>, scalar_prefetch = 0 : i64, scratch_operands = 10 : i64, tpu.core_type = #tpu.core_type<sc_vector_subcore>, window_params = [{transform_indices = #map}, {transform_indices = #map1}]} {
    %mul3A = arith.constant 2 : i32
    %mul3A_0 = arith.muli %arg1, %mul3A : i32
    %add3A = arith.addi %mul3A_0, %arg0 : i32
    %mul3A_1 = arith.constant 245 : i32
    %mul3A_2 = arith.muli %add3A, %mul3A_1 : i32
    %sub3A = arith.constant 7812 : i32
    %sub3A_3 = arith.subi %sub3A, %mul3A_2 : i32
    %max3A = arith.constant 0 : i32
    %max3A_4 = arith.maxsi %max3A, %sub3A_3 : i32
    %min3A = arith.constant 245 : i32
    %min3A_5 = arith.minsi %min3A, %max3A_4 : i32
    %iota3A = tpu.iota {dimensions = array<i32: 0>} : vector<16xi32>
    %mul3A_6 = arith.constant 64 : i32
    %mul3A_7 = vector.broadcast %mul3A_6 : i32 to vector<16xi32>
    %mul3A_8 = arith.muli %mul3A_7, %iota3A : vector<16xi32>
    %gt3A = arith.constant 0 : i32
    %gt3A_9 = arith.cmpi sgt, %min3A_5, %gt3A : i32
    %convert_element_type3A = arith.extui %gt3A_9 : i1 to i32
    %cond3A = arith.constant 0 : i32
    %cond3A_10 = arith.cmpi ne, %convert_element_type3A, %cond3A : i32
    scf.if %cond3A_10 {
      %add3A_28 = arith.constant 0 : i32
      %add3A_29 = arith.addi %mul3A_2, %add3A_28 : i32
      %mul3A_30 = arith.constant 128 : i32
      %mul3A_31 = arith.muli %add3A_29, %mul3A_30 : i32
      %dma_start3A = arith.constant 0 : i32
      %dma_start3A_32 = tpu.memref_slice %arg2[%dma_start3A, %mul3A_31] : memref<64x1000000xf32, #tpu.memory_space<hbm>> -> memref<64x128xf32, #tpu.memory_space<hbm>>
      %dma_start3A_33 = arith.constant 0 : i32
      %dma_start3A_34 = tpu.memref_slice %arg2[%dma_start3A_33, %mul3A_31] : memref<64x1000000xf32, #tpu.memory_space<hbm>> -> memref<64x128xf32, #tpu.memory_space<hbm>>
      tpu.enqueue_dma source(%dma_start3A_34 : memref<64x128xf32, #tpu.memory_space<hbm>>) target(%arg4 : memref<64x128xf32, #tpu.memory_space<vmem>>) target_semaphore(%arg10 : memref<!tpu.dma_semaphore, #tpu.memory_space<semaphore_mem>>)
    } else {
    }
    %scan3A = arith.constant 0 : i32
    %scan3A_11 = arith.constant 0 : i32
    %scan3A_12 = arith.constant 123 : i32
    %scan3A_13 = arith.addi %scan3A_11, %scan3A_12 : i32
    %scan3A_14 = arith.constant 1 : i32
    %scan3A_15 = scf.for %scan3A_28 = %scan3A_11 to %scan3A_13 step %scan3A_14 iter_args(%scan3A_29 = %scan3A) -> (i32)  : i32 {
      %mul3A_30 = arith.constant 2 : i32
      %mul3A_31 = arith.muli %mul3A_30, %scan3A_28 : i32
      %add3A_32 = arith.constant 0 : i32
      %add3A_33 = arith.addi %mul3A_31, %add3A_32 : i32
      %lt3A = arith.cmpi slt, %add3A_33, %min3A_5 : i32
      %convert_element_type3A_34 = arith.extui %lt3A : i1 to i32
      %cond3A_35 = arith.constant 0 : i32
      %cond3A_36 = arith.cmpi ne, %convert_element_type3A_34, %cond3A_35 : i32
      scf.if %cond3A_36 {
        %add3A_46 = arith.constant 1 : i32
        %add3A_47 = arith.addi %add3A_33, %add3A_46 : i32
        %lt3A_48 = arith.cmpi slt, %add3A_47, %min3A_5 : i32
        %convert_element_type3A_49 = arith.extui %lt3A_48 : i1 to i32
        %cond3A_50 = arith.constant 0 : i32
        %cond3A_51 = arith.cmpi ne, %convert_element_type3A_49, %cond3A_50 : i32
        scf.if %cond3A_51 {
          %add3A_70 = arith.addi %mul3A_2, %add3A_47 : i32
          %mul3A_71 = arith.constant 128 : i32
          %mul3A_72 = arith.muli %add3A_70, %mul3A_71 : i32
          %dma_start3A_73 = arith.constant 0 : i32
          %dma_start3A_74 = tpu.memref_slice %arg2[%dma_start3A_73, %mul3A_72] : memref<64x1000000xf32, #tpu.memory_space<hbm>> -> memref<64x128xf32, #tpu.memory_space<hbm>>
          %dma_start3A_75 = arith.constant 0 : i32
          %dma_start3A_76 = tpu.memref_slice %arg2[%dma_start3A_75, %mul3A_72] : memref<64x1000000xf32, #tpu.memory_space<hbm>> -> memref<64x128xf32, #tpu.memory_space<hbm>>
          tpu.enqueue_dma source(%dma_start3A_76 : memref<64x128xf32, #tpu.memory_space<hbm>>) target(%arg5 : memref<64x128xf32, #tpu.memory_space<vmem>>) target_semaphore(%arg11 : memref<!tpu.dma_semaphore, #tpu.memory_space<semaphore_mem>>)
        } else {
        }
        %dma_wait3A_52 = arith.constant 0 : i32
        %dma_wait3A_53 = arith.constant 0 : i32
        %dma_wait3A_54 = tpu.memref_slice %arg2[%dma_wait3A_52, %dma_wait3A_53] : memref<64x1000000xf32, #tpu.memory_space<hbm>> -> memref<64x128xf32, #tpu.memory_space<hbm>>
        %dma_wait3A_55 = arith.constant 0 : i32
        %dma_wait3A_56 = arith.constant 0 : i32
        %dma_wait3A_57 = tpu.memref_slice %arg2[%dma_wait3A_55, %dma_wait3A_56] : memref<64x1000000xf32, #tpu.memory_space<hbm>> -> memref<64x128xf32, #tpu.memory_space<hbm>>
        tpu.wait_dma2 semaphore(%arg10 : memref<!tpu.dma_semaphore, #tpu.memory_space<semaphore_mem>>) src(%dma_wait3A_57 : memref<64x128xf32, #tpu.memory_space<hbm>>) dst(%arg4 : memref<64x128xf32, #tpu.memory_space<vmem>>)
        %ge3A = arith.constant 2 : i32
        %ge3A_58 = arith.cmpi sge, %add3A_33, %ge3A : i32
        %convert_element_type3A_59 = arith.extui %ge3A_58 : i1 to i32
        %cond3A_60 = arith.constant 0 : i32
        %cond3A_61 = arith.cmpi ne, %convert_element_type3A_59, %cond3A_60 : i32
        scf.if %cond3A_61 {
          %dma_wait3A_70 = arith.constant 0 : i32
          %dma_wait3A_71 = tpu.memref_slice %arg3[%dma_wait3A_70] : memref<64000000xf32, #tpu.memory_space<hbm>> -> memref<8192xf32, #tpu.memory_space<hbm>>
          %dma_wait3A_72 = arith.constant 0 : i32
          %dma_wait3A_73 = tpu.memref_slice %arg3[%dma_wait3A_72] : memref<64000000xf32, #tpu.memory_space<hbm>> -> memref<8192xf32, #tpu.memory_space<hbm>>
          tpu.wait_dma2 semaphore(%arg12 : memref<!tpu.dma_semaphore, #tpu.memory_space<semaphore_mem>>) src(%arg7 : memref<8192xf32, #tpu.memory_space<vmem>>) dst(%dma_wait3A_73 : memref<8192xf32, #tpu.memory_space<hbm>>)
        } else {
        }
        %parallel_loop3A = arith.constant 0 : i32
        %parallel_loop3A_62 = arith.constant 64 : i32
        %parallel_loop3A_63 = arith.constant 1 : i32
        scf.for %parallel_loop3A_70 = %parallel_loop3A to %parallel_loop3A_62 step %parallel_loop3A_63  : i32 {
          %parallel_loop3A_71 = vector.broadcast %parallel_loop3A_70 : i32 to vector<16xi32>
          %parallel_loop3A_72 = arith.addi %parallel_loop3A_71, %iota3A : vector<16xi32>
          %parallel_loop3A_73 = arith.constant 15 : i32
          %parallel_loop3A_74 = vector.broadcast %parallel_loop3A_73 : i32 to vector<16xi32>
          %parallel_loop3A_75 = arith.andi %parallel_loop3A_72, %parallel_loop3A_74 : vector<16xi32>
          %parallel_loop3A_76 = arith.addi %mul3A_8, %parallel_loop3A_75 : vector<16xi32>
          %parallel_loop3A_77 = arith.constant 15 : i32
          %parallel_loop3A_78 = arith.andi %parallel_loop3A_70, %parallel_loop3A_77 : i32
          %parallel_loop3A_79 = arith.subi %parallel_loop3A_70, %parallel_loop3A_78 : i32
          %parallel_loop3A_80 = vector.broadcast %parallel_loop3A_79 : i32 to vector<16xi32>
          %parallel_loop3A_81 = arith.addi %parallel_loop3A_76, %parallel_loop3A_80 : vector<16xi32>
          %parallel_loop3A_82 = arith.index_cast %parallel_loop3A_70 : i32 to index
          %parallel_loop3A_83 = arith.constant 0 : index
          %parallel_loop3A_84 = tpu.vector_load %arg4[%parallel_loop3A_82, %parallel_loop3A_83] {strides = array<i32>} : memref<64x128xf32, #tpu.memory_space<vmem>>, vector<16xf32>,
          %parallel_loop3A_85 = arith.constant 0 : i32
          %parallel_loop3A_86 = vector.broadcast %parallel_loop3A_85 : i32 to vector<16xi32>
          %parallel_loop3A_87 = arith.addi %parallel_loop3A_81, %parallel_loop3A_86 : vector<16xi32>
          tpu.vector_store_idx %arg7[%parallel_loop3A_87], %parallel_loop3A_84 : memref<8192xf32, #tpu.memory_space<vmem>>[vector<16xi32>], vector<16xf32>,
          %parallel_loop3A_88 = arith.index_cast %parallel_loop3A_70 : i32 to index
          %parallel_loop3A_89 = arith.constant 16 : index
          %parallel_loop3A_90 = tpu.vector_load %arg4[%parallel_loop3A_88, %parallel_loop3A_89] {strides = array<i32>} : memref<64x128xf32, #tpu.memory_space<vmem>>, vector<16xf32>,
          %parallel_loop3A_91 = arith.constant 1024 : i32
          %parallel_loop3A_92 = vector.broadcast %parallel_loop3A_91 : i32 to vector<16xi32>
          %parallel_loop3A_93 = arith.addi %parallel_loop3A_81, %parallel_loop3A_92 : vector<16xi32>
          tpu.vector_store_idx %arg7[%parallel_loop3A_93], %parallel_loop3A_90 : memref<8192xf32, #tpu.memory_space<vmem>>[vector<16xi32>], vector<16xf32>,
          %parallel_loop3A_94 = arith.index_cast %parallel_loop3A_70 : i32 to index
          %parallel_loop3A_95 = arith.constant 32 : index
          %parallel_loop3A_96 = tpu.vector_load %arg4[%parallel_loop3A_94, %parallel_loop3A_95] {strides = array<i32>} : memref<64x128xf32, #tpu.memory_space<vmem>>, vector<16xf32>,
          %parallel_loop3A_97 = arith.constant 2048 : i32
          %parallel_loop3A_98 = vector.broadcast %parallel_loop3A_97 : i32 to vector<16xi32>
          %parallel_loop3A_99 = arith.addi %parallel_loop3A_81, %parallel_loop3A_98 : vector<16xi32>
          tpu.vector_store_idx %arg7[%parallel_loop3A_99], %parallel_loop3A_96 : memref<8192xf32, #tpu.memory_space<vmem>>[vector<16xi32>], vector<16xf32>,
          %parallel_loop3A_100 = arith.index_cast %parallel_loop3A_70 : i32 to index
          %parallel_loop3A_101 = arith.constant 48 : index
          %parallel_loop3A_102 = tpu.vector_load %arg4[%parallel_loop3A_100, %parallel_loop3A_101] {strides = array<i32>} : memref<64x128xf32, #tpu.memory_space<vmem>>, vector<16xf32>,
          %parallel_loop3A_103 = arith.constant 3072 : i32
          %parallel_loop3A_104 = vector.broadcast %parallel_loop3A_103 : i32 to vector<16xi32>
          %parallel_loop3A_105 = arith.addi %parallel_loop3A_81, %parallel_loop3A_104 : vector<16xi32>
          tpu.vector_store_idx %arg7[%parallel_loop3A_105], %parallel_loop3A_102 : memref<8192xf32, #tpu.memory_space<vmem>>[vector<16xi32>], vector<16xf32>,
          %parallel_loop3A_106 = arith.index_cast %parallel_loop3A_70 : i32 to index
          %parallel_loop3A_107 = arith.constant 64 : index
          %parallel_loop3A_108 = tpu.vector_load %arg4[%parallel_loop3A_106, %parallel_loop3A_107] {strides = array<i32>} : memref<64x128xf32, #tpu.memory_space<vmem>>, vector<16xf32>,
          %parallel_loop3A_109 = arith.constant 4096 : i32
          %parallel_loop3A_110 = vector.broadcast %parallel_loop3A_109 : i32 to vector<16xi32>
          %parallel_loop3A_111 = arith.addi %parallel_loop3A_81, %parallel_loop3A_110 : vector<16xi32>
          tpu.vector_store_idx %arg7[%parallel_loop3A_111], %parallel_loop3A_108 : memref<8192xf32, #tpu.memory_space<vmem>>[vector<16xi32>], vector<16xf32>,
          %parallel_loop3A_112 = arith.index_cast %parallel_loop3A_70 : i32 to index
          %parallel_loop3A_113 = arith.constant 80 : index
          %parallel_loop3A_114 = tpu.vector_load %arg4[%parallel_loop3A_112, %parallel_loop3A_113] {strides = array<i32>} : memref<64x128xf32, #tpu.memory_space<vmem>>, vector<16xf32>,
          %parallel_loop3A_115 = arith.constant 5120 : i32
          %parallel_loop3A_116 = vector.broadcast %parallel_loop3A_115 : i32 to vector<16xi32>
          %parallel_loop3A_117 = arith.addi %parallel_loop3A_81, %parallel_loop3A_116 : vector<16xi32>
          tpu.vector_store_idx %arg7[%parallel_loop3A_117], %parallel_loop3A_114 : memref<8192xf32, #tpu.memory_space<vmem>>[vector<16xi32>], vector<16xf32>,
          %parallel_loop3A_118 = arith.index_cast %parallel_loop3A_70 : i32 to index
          %parallel_loop3A_119 = arith.constant 96 : index
          %parallel_loop3A_120 = tpu.vector_load %arg4[%parallel_loop3A_118, %parallel_loop3A_119] {strides = array<i32>} : memref<64x128xf32, #tpu.memory_space<vmem>>, vector<16xf32>,
          %parallel_loop3A_121 = arith.constant 6144 : i32
          %parallel_loop3A_122 = vector.broadcast %parallel_loop3A_121 : i32 to vector<16xi32>
          %parallel_loop3A_123 = arith.addi %parallel_loop3A_81, %parallel_loop3A_122 : vector<16xi32>
          tpu.vector_store_idx %arg7[%parallel_loop3A_123], %parallel_loop3A_120 : memref<8192xf32, #tpu.memory_space<vmem>>[vector<16xi32>], vector<16xf32>,
          %parallel_loop3A_124 = arith.index_cast %parallel_loop3A_70 : i32 to index
          %parallel_loop3A_125 = arith.constant 112 : index
          %parallel_loop3A_126 = tpu.vector_load %arg4[%parallel_loop3A_124, %parallel_loop3A_125] {strides = array<i32>} : memref<64x128xf32, #tpu.memory_space<vmem>>, vector<16xf32>,
          %parallel_loop3A_127 = arith.constant 7168 : i32
          %parallel_loop3A_128 = vector.broadcast %parallel_loop3A_127 : i32 to vector<16xi32>
          %parallel_loop3A_129 = arith.addi %parallel_loop3A_81, %parallel_loop3A_128 : vector<16xi32>
          tpu.vector_store_idx %arg7[%parallel_loop3A_129], %parallel_loop3A_126 : memref<8192xf32, #tpu.memory_space<vmem>>[vector<16xi32>], vector<16xf32>,
        } {sc.loop_unroll_factor = 4 : i64, sc.parallel_access}
        %add3A_64 = arith.addi %mul3A_2, %add3A_33 : i32
        %mul3A_65 = arith.constant 128 : i32
        %mul3A_66 = arith.muli %add3A_64, %mul3A_65 : i32
        %mul3A_67 = arith.constant 64 : i32
        %mul3A_68 = arith.muli %mul3A_66, %mul3A_67 : i32
        %dma_start3A = tpu.memref_slice %arg3[%mul3A_68] : memref<64000000xf32, #tpu.memory_space<hbm>> -> memref<8192xf32, #tpu.memory_space<hbm>>
        %dma_start3A_69 = tpu.memref_slice %arg3[%mul3A_68] : memref<64000000xf32, #tpu.memory_space<hbm>> -> memref<8192xf32, #tpu.memory_space<hbm>>
        tpu.enqueue_dma source(%arg7 : memref<8192xf32, #tpu.memory_space<vmem>>) target(%dma_start3A_69 : memref<8192xf32, #tpu.memory_space<hbm>>) target_semaphore(%arg12 : memref<!tpu.dma_semaphore, #tpu.memory_space<semaphore_mem>>)
      } else {
      }
      %mul3A_37 = arith.constant 2 : i32
      %mul3A_38 = arith.muli %mul3A_37, %scan3A_28 : i32
      %add3A_39 = arith.constant 1 : i32
      %add3A_40 = arith.addi %mul3A_38, %add3A_39 : i32
      %lt3A_41 = arith.cmpi slt, %add3A_40, %min3A_5 : i32
      %convert_element_type3A_42 = arith.extui %lt3A_41 : i1 to i32
      %cond3A_43 = arith.constant 0 : i32
      %cond3A_44 = arith.cmpi ne, %convert_element_type3A_42, %cond3A_43 : i32
      scf.if %cond3A_44 {
        %add3A_46 = arith.constant 1 : i32
        %add3A_47 = arith.addi %add3A_40, %add3A_46 : i32
        %lt3A_48 = arith.cmpi slt, %add3A_47, %min3A_5 : i32
        %convert_element_type3A_49 = arith.extui %lt3A_48 : i1 to i32
        %cond3A_50 = arith.constant 0 : i32
        %cond3A_51 = arith.cmpi ne, %convert_element_type3A_49, %cond3A_50 : i32
        scf.if %cond3A_51 {
          %add3A_70 = arith.addi %mul3A_2, %add3A_47 : i32
          %mul3A_71 = arith.constant 128 : i32
          %mul3A_72 = arith.muli %add3A_70, %mul3A_71 : i32
          %dma_start3A_73 = arith.constant 0 : i32
          %dma_start3A_74 = tpu.memref_slice %arg2[%dma_start3A_73, %mul3A_72] : memref<64x1000000xf32, #tpu.memory_space<hbm>> -> memref<64x128xf32, #tpu.memory_space<hbm>>
          %dma_start3A_75 = arith.constant 0 : i32
          %dma_start3A_76 = tpu.memref_slice %arg2[%dma_start3A_75, %mul3A_72] : memref<64x1000000xf32, #tpu.memory_space<hbm>> -> memref<64x128xf32, #tpu.memory_space<hbm>>
          tpu.enqueue_dma source(%dma_start3A_76 : memref<64x128xf32, #tpu.memory_space<hbm>>) target(%arg4 : memref<64x128xf32, #tpu.memory_space<vmem>>) target_semaphore(%arg10 : memref<!tpu.dma_semaphore, #tpu.memory_space<semaphore_mem>>)
        } else {
        }
        %dma_wait3A_52 = arith.constant 0 : i32
        %dma_wait3A_53 = arith.constant 0 : i32
        %dma_wait3A_54 = tpu.memref_slice %arg2[%dma_wait3A_52, %dma_wait3A_53] : memref<64x1000000xf32, #tpu.memory_space<hbm>> -> memref<64x128xf32, #tpu.memory_space<hbm>>
        %dma_wait3A_55 = arith.constant 0 : i32
        %dma_wait3A_56 = arith.constant 0 : i32
        %dma_wait3A_57 = tpu.memref_slice %arg2[%dma_wait3A_55, %dma_wait3A_56] : memref<64x1000000xf32, #tpu.memory_space<hbm>> -> memref<64x128xf32, #tpu.memory_space<hbm>>
        tpu.wait_dma2 semaphore(%arg11 : memref<!tpu.dma_semaphore, #tpu.memory_space<semaphore_mem>>) src(%dma_wait3A_57 : memref<64x128xf32, #tpu.memory_space<hbm>>) dst(%arg5 : memref<64x128xf32, #tpu.memory_space<vmem>>)
        %ge3A = arith.constant 2 : i32
        %ge3A_58 = arith.cmpi sge, %add3A_40, %ge3A : i32
        %convert_element_type3A_59 = arith.extui %ge3A_58 : i1 to i32
        %cond3A_60 = arith.constant 0 : i32
        %cond3A_61 = arith.cmpi ne, %convert_element_type3A_59, %cond3A_60 : i32
        scf.if %cond3A_61 {
          %dma_wait3A_70 = arith.constant 0 : i32
          %dma_wait3A_71 = tpu.memref_slice %arg3[%dma_wait3A_70] : memref<64000000xf32, #tpu.memory_space<hbm>> -> memref<8192xf32, #tpu.memory_space<hbm>>
          %dma_wait3A_72 = arith.constant 0 : i32
          %dma_wait3A_73 = tpu.memref_slice %arg3[%dma_wait3A_72] : memref<64000000xf32, #tpu.memory_space<hbm>> -> memref<8192xf32, #tpu.memory_space<hbm>>
          tpu.wait_dma2 semaphore(%arg13 : memref<!tpu.dma_semaphore, #tpu.memory_space<semaphore_mem>>) src(%arg8 : memref<8192xf32, #tpu.memory_space<vmem>>) dst(%dma_wait3A_73 : memref<8192xf32, #tpu.memory_space<hbm>>)
        } else {
        }
        %parallel_loop3A = arith.constant 0 : i32
        %parallel_loop3A_62 = arith.constant 64 : i32
        %parallel_loop3A_63 = arith.constant 1 : i32
        scf.for %parallel_loop3A_70 = %parallel_loop3A to %parallel_loop3A_62 step %parallel_loop3A_63  : i32 {
          %parallel_loop3A_71 = vector.broadcast %parallel_loop3A_70 : i32 to vector<16xi32>
          %parallel_loop3A_72 = arith.addi %parallel_loop3A_71, %iota3A : vector<16xi32>
          %parallel_loop3A_73 = arith.constant 15 : i32
          %parallel_loop3A_74 = vector.broadcast %parallel_loop3A_73 : i32 to vector<16xi32>
          %parallel_loop3A_75 = arith.andi %parallel_loop3A_72, %parallel_loop3A_74 : vector<16xi32>
          %parallel_loop3A_76 = arith.addi %mul3A_8, %parallel_loop3A_75 : vector<16xi32>
          %parallel_loop3A_77 = arith.constant 15 : i32
          %parallel_loop3A_78 = arith.andi %parallel_loop3A_70, %parallel_loop3A_77 : i32
          %parallel_loop3A_79 = arith.subi %parallel_loop3A_70, %parallel_loop3A_78 : i32
          %parallel_loop3A_80 = vector.broadcast %parallel_loop3A_79 : i32 to vector<16xi32>
          %parallel_loop3A_81 = arith.addi %parallel_loop3A_76, %parallel_loop3A_80 : vector<16xi32>
          %parallel_loop3A_82 = arith.index_cast %parallel_loop3A_70 : i32 to index
          %parallel_loop3A_83 = arith.constant 0 : index
          %parallel_loop3A_84 = tpu.vector_load %arg5[%parallel_loop3A_82, %parallel_loop3A_83] {strides = array<i32>} : memref<64x128xf32, #tpu.memory_space<vmem>>, vector<16xf32>,
          %parallel_loop3A_85 = arith.constant 0 : i32
          %parallel_loop3A_86 = vector.broadcast %parallel_loop3A_85 : i32 to vector<16xi32>
          %parallel_loop3A_87 = arith.addi %parallel_loop3A_81, %parallel_loop3A_86 : vector<16xi32>
          tpu.vector_store_idx %arg8[%parallel_loop3A_87], %parallel_loop3A_84 : memref<8192xf32, #tpu.memory_space<vmem>>[vector<16xi32>], vector<16xf32>,
          %parallel_loop3A_88 = arith.index_cast %parallel_loop3A_70 : i32 to index
          %parallel_loop3A_89 = arith.constant 16 : index
          %parallel_loop3A_90 = tpu.vector_load %arg5[%parallel_loop3A_88, %parallel_loop3A_89] {strides = array<i32>} : memref<64x128xf32, #tpu.memory_space<vmem>>, vector<16xf32>,
          %parallel_loop3A_91 = arith.constant 1024 : i32
          %parallel_loop3A_92 = vector.broadcast %parallel_loop3A_91 : i32 to vector<16xi32>
          %parallel_loop3A_93 = arith.addi %parallel_loop3A_81, %parallel_loop3A_92 : vector<16xi32>
          tpu.vector_store_idx %arg8[%parallel_loop3A_93], %parallel_loop3A_90 : memref<8192xf32, #tpu.memory_space<vmem>>[vector<16xi32>], vector<16xf32>,
          %parallel_loop3A_94 = arith.index_cast %parallel_loop3A_70 : i32 to index
          %parallel_loop3A_95 = arith.constant 32 : index
          %parallel_loop3A_96 = tpu.vector_load %arg5[%parallel_loop3A_94, %parallel_loop3A_95] {strides = array<i32>} : memref<64x128xf32, #tpu.memory_space<vmem>>, vector<16xf32>,
          %parallel_loop3A_97 = arith.constant 2048 : i32
          %parallel_loop3A_98 = vector.broadcast %parallel_loop3A_97 : i32 to vector<16xi32>
          %parallel_loop3A_99 = arith.addi %parallel_loop3A_81, %parallel_loop3A_98 : vector<16xi32>
          tpu.vector_store_idx %arg8[%parallel_loop3A_99], %parallel_loop3A_96 : memref<8192xf32, #tpu.memory_space<vmem>>[vector<16xi32>], vector<16xf32>,
          %parallel_loop3A_100 = arith.index_cast %parallel_loop3A_70 : i32 to index
          %parallel_loop3A_101 = arith.constant 48 : index
          %parallel_loop3A_102 = tpu.vector_load %arg5[%parallel_loop3A_100, %parallel_loop3A_101] {strides = array<i32>} : memref<64x128xf32, #tpu.memory_space<vmem>>, vector<16xf32>,
          %parallel_loop3A_103 = arith.constant 3072 : i32
          %parallel_loop3A_104 = vector.broadcast %parallel_loop3A_103 : i32 to vector<16xi32>
          %parallel_loop3A_105 = arith.addi %parallel_loop3A_81, %parallel_loop3A_104 : vector<16xi32>
          tpu.vector_store_idx %arg8[%parallel_loop3A_105], %parallel_loop3A_102 : memref<8192xf32, #tpu.memory_space<vmem>>[vector<16xi32>], vector<16xf32>,
          %parallel_loop3A_106 = arith.index_cast %parallel_loop3A_70 : i32 to index
          %parallel_loop3A_107 = arith.constant 64 : index
          %parallel_loop3A_108 = tpu.vector_load %arg5[%parallel_loop3A_106, %parallel_loop3A_107] {strides = array<i32>} : memref<64x128xf32, #tpu.memory_space<vmem>>, vector<16xf32>,
          %parallel_loop3A_109 = arith.constant 4096 : i32
          %parallel_loop3A_110 = vector.broadcast %parallel_loop3A_109 : i32 to vector<16xi32>
          %parallel_loop3A_111 = arith.addi %parallel_loop3A_81, %parallel_loop3A_110 : vector<16xi32>
          tpu.vector_store_idx %arg8[%parallel_loop3A_111], %parallel_loop3A_108 : memref<8192xf32, #tpu.memory_space<vmem>>[vector<16xi32>], vector<16xf32>,
          %parallel_loop3A_112 = arith.index_cast %parallel_loop3A_70 : i32 to index
          %parallel_loop3A_113 = arith.constant 80 : index
          %parallel_loop3A_114 = tpu.vector_load %arg5[%parallel_loop3A_112, %parallel_loop3A_113] {strides = array<i32>} : memref<64x128xf32, #tpu.memory_space<vmem>>, vector<16xf32>,
          %parallel_loop3A_115 = arith.constant 5120 : i32
          %parallel_loop3A_116 = vector.broadcast %parallel_loop3A_115 : i32 to vector<16xi32>
          %parallel_loop3A_117 = arith.addi %parallel_loop3A_81, %parallel_loop3A_116 : vector<16xi32>
          tpu.vector_store_idx %arg8[%parallel_loop3A_117], %parallel_loop3A_114 : memref<8192xf32, #tpu.memory_space<vmem>>[vector<16xi32>], vector<16xf32>,
          %parallel_loop3A_118 = arith.index_cast %parallel_loop3A_70 : i32 to index
          %parallel_loop3A_119 = arith.constant 96 : index
          %parallel_loop3A_120 = tpu.vector_load %arg5[%parallel_loop3A_118, %parallel_loop3A_119] {strides = array<i32>} : memref<64x128xf32, #tpu.memory_space<vmem>>, vector<16xf32>,
          %parallel_loop3A_121 = arith.constant 6144 : i32
          %parallel_loop3A_122 = vector.broadcast %parallel_loop3A_121 : i32 to vector<16xi32>
          %parallel_loop3A_123 = arith.addi %parallel_loop3A_81, %parallel_loop3A_122 : vector<16xi32>
          tpu.vector_store_idx %arg8[%parallel_loop3A_123], %parallel_loop3A_120 : memref<8192xf32, #tpu.memory_space<vmem>>[vector<16xi32>], vector<16xf32>,
          %parallel_loop3A_124 = arith.index_cast %parallel_loop3A_70 : i32 to index
          %parallel_loop3A_125 = arith.constant 112 : index
          %parallel_loop3A_126 = tpu.vector_load %arg5[%parallel_loop3A_124, %parallel_loop3A_125] {strides = array<i32>} : memref<64x128xf32, #tpu.memory_space<vmem>>, vector<16xf32>,
          %parallel_loop3A_127 = arith.constant 7168 : i32
          %parallel_loop3A_128 = vector.broadcast %parallel_loop3A_127 : i32 to vector<16xi32>
          %parallel_loop3A_129 = arith.addi %parallel_loop3A_81, %parallel_loop3A_128 : vector<16xi32>
          tpu.vector_store_idx %arg8[%parallel_loop3A_129], %parallel_loop3A_126 : memref<8192xf32, #tpu.memory_space<vmem>>[vector<16xi32>], vector<16xf32>,
        } {sc.loop_unroll_factor = 4 : i64, sc.parallel_access}
        %add3A_64 = arith.addi %mul3A_2, %add3A_40 : i32
        %mul3A_65 = arith.constant 128 : i32
        %mul3A_66 = arith.muli %add3A_64, %mul3A_65 : i32
        %mul3A_67 = arith.constant 64 : i32
        %mul3A_68 = arith.muli %mul3A_66, %mul3A_67 : i32
        %dma_start3A = tpu.memref_slice %arg3[%mul3A_68] : memref<64000000xf32, #tpu.memory_space<hbm>> -> memref<8192xf32, #tpu.memory_space<hbm>>
        %dma_start3A_69 = tpu.memref_slice %arg3[%mul3A_68] : memref<64000000xf32, #tpu.memory_space<hbm>> -> memref<8192xf32, #tpu.memory_space<hbm>>
        tpu.enqueue_dma source(%arg8 : memref<8192xf32, #tpu.memory_space<vmem>>) target(%dma_start3A_69 : memref<8192xf32, #tpu.memory_space<hbm>>) target_semaphore(%arg13 : memref<!tpu.dma_semaphore, #tpu.memory_space<semaphore_mem>>)
      } else {
      }
      %scan3A_45 = arith.constant 0 : i32
      scf.yield %scan3A_45 : i32
    }
    %scan3A_16 = arith.constant 123 : i32
    %dma_wait3A = arith.constant 0 : i32
    %dma_wait3A_17 = tpu.memref_slice %arg3[%dma_wait3A] : memref<64000000xf32, #tpu.memory_space<hbm>> -> memref<8192xf32, #tpu.memory_space<hbm>>
    %dma_wait3A_18 = arith.constant 0 : i32
    %dma_wait3A_19 = tpu.memref_slice %arg3[%dma_wait3A_18] : memref<64000000xf32, #tpu.memory_space<hbm>> -> memref<8192xf32, #tpu.memory_space<hbm>>
    tpu.wait_dma2 semaphore(%arg12 : memref<!tpu.dma_semaphore, #tpu.memory_space<semaphore_mem>>) src(%arg7 : memref<8192xf32, #tpu.memory_space<vmem>>) dst(%dma_wait3A_19 : memref<8192xf32, #tpu.memory_space<hbm>>)
    %dma_wait3A_20 = arith.constant 0 : i32
    %dma_wait3A_21 = tpu.memref_slice %arg3[%dma_wait3A_20] : memref<64000000xf32, #tpu.memory_space<hbm>> -> memref<8192xf32, #tpu.memory_space<hbm>>
    %dma_wait3A_22 = arith.constant 0 : i32
    %dma_wait3A_23 = tpu.memref_slice %arg3[%dma_wait3A_22] : memref<64000000xf32, #tpu.memory_space<hbm>> -> memref<8192xf32, #tpu.memory_space<hbm>>
    tpu.wait_dma2 semaphore(%arg13 : memref<!tpu.dma_semaphore, #tpu.memory_space<semaphore_mem>>) src(%arg8 : memref<8192xf32, #tpu.memory_space<vmem>>) dst(%dma_wait3A_23 : memref<8192xf32, #tpu.memory_space<hbm>>)
    %eq3A = arith.constant 31 : i32
    %eq3A_24 = arith.cmpi eq, %add3A, %eq3A : i32
    %convert_element_type3A_25 = arith.extui %eq3A_24 : i1 to i32
    %cond3A_26 = arith.constant 0 : i32
    %cond3A_27 = arith.cmpi ne, %convert_element_type3A_25, %cond3A_26 : i32
    scf.if %cond3A_27 {
      "tpu.region"() ({
        %run_scoped3A = tpu.sem_alloc : memref<!tpu.dma_semaphore, #tpu.memory_space<semaphore_mem>>
        %dma_start3A = arith.constant 0 : i32
        %dma_start3A_35 = arith.constant 999936 : i32
        %dma_start3A_36 = tpu.memref_slice %arg2[%dma_start3A, %dma_start3A_35] : memref<64x1000000xf32, #tpu.memory_space<hbm>> -> memref<64x64xf32, #tpu.memory_space<hbm>>
        %dma_start3A_37 = arith.constant 0 : i32
        %dma_start3A_38 = arith.constant 999936 : i32
        %dma_start3A_39 = tpu.memref_slice %arg2[%dma_start3A_37, %dma_start3A_38] : memref<64x1000000xf32, #tpu.memory_space<hbm>> -> memref<64x64xf32, #tpu.memory_space<hbm>>
        tpu.enqueue_dma source(%dma_start3A_39 : memref<64x64xf32, #tpu.memory_space<hbm>>) target(%arg6 : memref<64x64xf32, #tpu.memory_space<vmem>>) target_semaphore(%run_scoped3A : memref<!tpu.dma_semaphore, #tpu.memory_space<semaphore_mem>>)
        %dma_wait3A_40 = arith.constant 0 : i32
        %dma_wait3A_41 = arith.constant 999936 : i32
        %dma_wait3A_42 = tpu.memref_slice %arg2[%dma_wait3A_40, %dma_wait3A_41] : memref<64x1000000xf32, #tpu.memory_space<hbm>> -> memref<64x64xf32, #tpu.memory_space<hbm>>
        %dma_wait3A_43 = arith.constant 0 : i32
        %dma_wait3A_44 = arith.constant 999936 : i32
        %dma_wait3A_45 = tpu.memref_slice %arg2[%dma_wait3A_43, %dma_wait3A_44] : memref<64x1000000xf32, #tpu.memory_space<hbm>> -> memref<64x64xf32, #tpu.memory_space<hbm>>
        tpu.wait_dma2 semaphore(%run_scoped3A : memref<!tpu.dma_semaphore, #tpu.memory_space<semaphore_mem>>) src(%dma_wait3A_45 : memref<64x64xf32, #tpu.memory_space<hbm>>) dst(%arg6 : memref<64x64xf32, #tpu.memory_space<vmem>>)
        tpu.yield
      }) : () -> ()
      %scan3A_28 = arith.constant 0 : i32
      %scan3A_29 = arith.constant 0 : i32
      %scan3A_30 = arith.constant 64 : i32
      %scan3A_31 = arith.addi %scan3A_29, %scan3A_30 : i32
      %scan3A_32 = arith.constant 1 : i32
      %scan3A_33 = scf.for %scan3A_35 = %scan3A_29 to %scan3A_31 step %scan3A_32 iter_args(%scan3A_36 = %scan3A_28) -> (i32)  : i32 {
        %add3A_37 = vector.broadcast %scan3A_35 : i32 to vector<16xi32>
        %add3A_38 = arith.addi %add3A_37, %iota3A : vector<16xi32>
        %and3A = arith.constant 15 : i32
        %and3A_39 = vector.broadcast %and3A : i32 to vector<16xi32>
        %and3A_40 = arith.andi %add3A_38, %and3A_39 : vector<16xi32>
        %add3A_41 = arith.addi %mul3A_8, %and3A_40 : vector<16xi32>
        %and3A_42 = arith.constant 15 : i32
        %and3A_43 = arith.andi %scan3A_35, %and3A_42 : i32
        %sub3A_44 = arith.subi %scan3A_35, %and3A_43 : i32
        %add3A_45 = vector.broadcast %sub3A_44 : i32 to vector<16xi32>
        %add3A_46 = arith.addi %add3A_41, %add3A_45 : vector<16xi32>
        %get3A = arith.index_cast %scan3A_35 : i32 to index
        %get3A_47 = arith.constant 0 : index
        %get3A_48 = tpu.vector_load %arg6[%get3A, %get3A_47] {strides = array<i32>} : memref<64x64xf32, #tpu.memory_space<vmem>>, vector<16xf32>,
        %add3A_49 = arith.constant 0 : i32
        %add3A_50 = vector.broadcast %add3A_49 : i32 to vector<16xi32>
        %add3A_51 = arith.addi %add3A_46, %add3A_50 : vector<16xi32>
        tpu.vector_store_idx %arg9[%add3A_51], %get3A_48 : memref<4096xf32, #tpu.memory_space<vmem>>[vector<16xi32>], vector<16xf32>,
        %get3A_52 = arith.index_cast %scan3A_35 : i32 to index
        %get3A_53 = arith.constant 16 : index
        %get3A_54 = tpu.vector_load %arg6[%get3A_52, %get3A_53] {strides = array<i32>} : memref<64x64xf32, #tpu.memory_space<vmem>>, vector<16xf32>,
        %add3A_55 = arith.constant 1024 : i32
        %add3A_56 = vector.broadcast %add3A_55 : i32 to vector<16xi32>
        %add3A_57 = arith.addi %add3A_46, %add3A_56 : vector<16xi32>
        tpu.vector_store_idx %arg9[%add3A_57], %get3A_54 : memref<4096xf32, #tpu.memory_space<vmem>>[vector<16xi32>], vector<16xf32>,
        %get3A_58 = arith.index_cast %scan3A_35 : i32 to index
        %get3A_59 = arith.constant 32 : index
        %get3A_60 = tpu.vector_load %arg6[%get3A_58, %get3A_59] {strides = array<i32>} : memref<64x64xf32, #tpu.memory_space<vmem>>, vector<16xf32>,
        %add3A_61 = arith.constant 2048 : i32
        %add3A_62 = vector.broadcast %add3A_61 : i32 to vector<16xi32>
        %add3A_63 = arith.addi %add3A_46, %add3A_62 : vector<16xi32>
        tpu.vector_store_idx %arg9[%add3A_63], %get3A_60 : memref<4096xf32, #tpu.memory_space<vmem>>[vector<16xi32>], vector<16xf32>,
        %get3A_64 = arith.index_cast %scan3A_35 : i32 to index
        %get3A_65 = arith.constant 48 : index
        %get3A_66 = tpu.vector_load %arg6[%get3A_64, %get3A_65] {strides = array<i32>} : memref<64x64xf32, #tpu.memory_space<vmem>>, vector<16xf32>,
        %add3A_67 = arith.constant 3072 : i32
        %add3A_68 = vector.broadcast %add3A_67 : i32 to vector<16xi32>
        %add3A_69 = arith.addi %add3A_46, %add3A_68 : vector<16xi32>
        tpu.vector_store_idx %arg9[%add3A_69], %get3A_66 : memref<4096xf32, #tpu.memory_space<vmem>>[vector<16xi32>], vector<16xf32>,
        %scan3A_70 = arith.constant 0 : i32
        scf.yield %scan3A_70 : i32
      }
      %scan3A_34 = arith.constant 64 : i32
      "tpu.region"() ({
        %run_scoped3A = tpu.sem_alloc : memref<!tpu.dma_semaphore, #tpu.memory_space<semaphore_mem>>
        %dma_start3A = arith.constant 63995904 : i32
        %dma_start3A_35 = tpu.memref_slice %arg3[%dma_start3A] : memref<64000000xf32, #tpu.memory_space<hbm>> -> memref<4096xf32, #tpu.memory_space<hbm>>
        %dma_start3A_36 = arith.constant 63995904 : i32
        %dma_start3A_37 = tpu.memref_slice %arg3[%dma_start3A_36] : memref<64000000xf32, #tpu.memory_space<hbm>> -> memref<4096xf32, #tpu.memory_space<hbm>>
        tpu.enqueue_dma source(%arg9 : memref<4096xf32, #tpu.memory_space<vmem>>) target(%dma_start3A_37 : memref<4096xf32, #tpu.memory_space<hbm>>) target_semaphore(%run_scoped3A : memref<!tpu.dma_semaphore, #tpu.memory_space<semaphore_mem>>)
        %dma_wait3A_38 = arith.constant 63995904 : i32
        %dma_wait3A_39 = tpu.memref_slice %arg3[%dma_wait3A_38] : memref<64000000xf32, #tpu.memory_space<hbm>> -> memref<4096xf32, #tpu.memory_space<hbm>>
        %dma_wait3A_40 = arith.constant 63995904 : i32
        %dma_wait3A_41 = tpu.memref_slice %arg3[%dma_wait3A_40] : memref<64000000xf32, #tpu.memory_space<hbm>> -> memref<4096xf32, #tpu.memory_space<hbm>>
        tpu.wait_dma2 semaphore(%run_scoped3A : memref<!tpu.dma_semaphore, #tpu.memory_space<semaphore_mem>>) src(%arg9 : memref<4096xf32, #tpu.memory_space<vmem>>) dst(%dma_wait3A_41 : memref<4096xf32, #tpu.memory_space<hbm>>)
        tpu.yield
      }) : () -> ()
    } else {
    }
    return
  }
}

</mosaic_0001>

<sc_bundles>
// kernel: _sc_transpose.3.cloned.1.call-start
scs
__scs_entry_jumppad:
0x0: {  	(pc) =	sbr.rel $0x88, $3  }
0x1: {  	(tag) =	ssettag $0x0;
	lr =	simm.s32 $0x1  }
0x2: {  	[smem:$0x3FA0] =	sst lr;
	_ =	strace $0xD0000000  }
0x3: {  	_ = 	snop  }
0x4: {  	_ = 	snop  }
0x5: {  	_ = 	snop  }
0x6: {  	_ = 	snop  }
0x7: {  	_ = 	snop  }
__scs_overlays_trampoline_lowered:
0x8: {  	[smem:$0x3FAF] =	sst s0  }
0x9: {  	[smem:$0x3FB0] =	sst s1  }
0xa: {  	[smem:$0x3FB1] =	sst s2  }
0xb: {  	[smem:$0x3FB2] =	sst s3  }
0xc: {  	[smem:$0x3FB3] =	sst s4  }
0xd: {  	[smem:$0x3FB4] =	sst s5  }
0xe: {  	[smem:$0x3FB5] =	sst s6  }
0xf: {  	[smem:$0x3FB6] =	sst s7  }
0x10: {  	[smem:$0x3FB7] =	sst s8  }
0x11: {  	[smem:$0x3FB8] =	sst s9;
	s0 =	simm.s32 @!p0 $0x0  }
0x12: {  	s1 =	sld [smem:$0x3F9E];
	s0 =	simm.s32 @p0 $0x1  }
0x13: {  	[smem:$0x3FB9] =	sst s0;
	s0 =	simm.s32 @!p1 $0x0  }
0x14: {  	s2 =	sld [smem:$0x3F9D];
	s0 =	simm.s32 @p1 $0x1  }
0x15: {  	[smem:$0x3FBA] =	sst s0;
	s0 =	simm.s32 @!p2 $0x0  }
0x16: {  	s3 =	sld [smem:$0x3FDB];
	s0 =	simm.s32 @p2 $0x1  }
0x17: {  	s4 =	simm.s32 $0x1BF5;
	[smem:$0x3FBC] =	sst s0  }
0x18: {  	s0 =	sld [smem:$0x3F9F];
	_ =	swait.ge [sflag:s4], $0x0  }
0x19: {  	s7 =	sld [smem:$0x3FA0]  }
0x1a: {  	s8 =	sadd.s32 $0xFFFFE003, lr  }
0x1b: {  	s9 =	sadd.s32 $0xFFFFFEF7, lr;
	s5 =	simm.s32 $0xFFFFFFFF;
	p2 =	slt.u32 s8, $0xFFFFF086  }
0x1c: {  	p1 =	slt.u32 s9, $0xF7A;
	s5 =	simm.s32 @!p2 $0x0  }
0x1d: {  	s5 =	simm.s32 @p1 $0x1;
	p0 =	seq.s32 s7, s2  }
0x1e: {  	s7 =	smul.u32 @!p0 $0xF7A, s2;
	p2 =	seq.s32 @!p0 s5, $0x0  }
0x1f: {  	s9 =	smul.u32 $0xF7A, s1;
	s8 =	simm.s32 @!p0 $0x1BF5;
	p2 =	por !p2, p0  }
0x20: {  	[sflag:s8] =	ssyncset.s32 @!p0 $0xFFFFF086;
	s6 =	sadd.s32 @!p0 s3, s7;
	s7 =	simm.s32 @!p0 $0x108  }
0x21: {  	s3 =	sadd.s32 s3, s9;
	s6 =	sadd.s32 @!p0 $0x88, s6;
	s7 =	simm.s32 @p2 $0x1082  }
0x22: {  	[simem:s7], [sflag:s8] =	dma.local @!p0 [hbm:s6], $0xF7A  }
0x23: {  	s9 =	sor.u32 $0xD0000000, s2;
	s6 =	simm.s32 $0x108;
	_ =	swait.ge @!p0 [sflag:s8], $0x0  }
0x24: {  	s3 =	sadd.s32 $0x88, s3;
	s6 =	simm.s32 @!p1 $0x1082;
	[sflag:s4] =	ssyncset.s32 $0xFFFFF086  }
0x25: {  	[simem:s6], [sflag:s4] =	dma.local [hbm:s3], $0xF7A  }
0x26: {  	[smem:$0x3FA0] =	sst s1;
	(tag) =	ssettag s2;
	_ =	strace s9  }
0x27: {  	s1 =	sld [smem:$0x3FB0]  }
0x28: {  	s2 =	sld [smem:$0x3FB1]  }
0x29: {  	s4 =	sld [smem:$0x3FB3]  }
0x2a: {  	p0 =	seq.s32 s5, $0x0;
	s5 =	sld [smem:$0x3FB4]  }
0x2b: {  	s6 =	sld [smem:$0x3FB5]  }
0x2c: {  	s7 =	sld [smem:$0x3FB6]  }
0x2d: {  	s3 =	simm.s32 $0x108;
	s8 =	sld [smem:$0x3FB7]  }
0x2e: {  	s3 =	simm.s32 @!p0 $0x1082;
	s9 =	sld [smem:$0x3FB8]  }
0x2f: {  	lr =	sadd.s32 s0, s3;
	s0 =	sld [smem:$0x3FAF]  }
0x30: {  	s3 =	sld [smem:$0x3FB2]  }
0x31: {  	[smem:$0x3FBB] =	sst s10  }
0x32: {  	s10 =	sld [smem:$0x3FB9];
	_ =	sdelay $0x3  }
0x33: {  	p0 =	seq.s32 s10, $0x1;
	s10 =	sld [smem:$0x3FBB];
	_ =	sdelay $0x3  }
0x34: {  	[smem:$0x3FBB] =	sst s10  }
0x35: {  	s10 =	sld [smem:$0x3FBA];
	_ =	sdelay $0x3  }
0x36: {  	p1 =	seq.s32 s10, $0x1;
	s10 =	sld [smem:$0x3FBB];
	_ =	sdelay $0x3  }
0x37: {  	[smem:$0x3FBB] =	sst s10  }
0x38: {  	s10 =	sld [smem:$0x3FBC]  }
0x39: {  	_ = 	snop;
	(pc) =	sbr.ind lr, $3  }
0x3a: {  	_ = 	snop  }
0x3b: {  	_ = 	snop  }
0x3c: {  	p2 =	seq.s32 s10, $0x1;
	s10 =	sld [smem:$0x3FBB]  }
0x3d: {  	_ =	shalt  }
0x3e: {  	_ =	shalt  }
0x3f: {  	_ =	shalt  }
0x40: {  	_ =	shalt  }
0x41: {  	_ =	shalt  }
0x42: {  	_ =	shalt  }
0x43: {  	_ =	shalt  }
0x44: {  	_ =	shalt  }
0x45: {  	_ =	shalt  }
0x46: {  	_ =	shalt  }
0x47: {  	_ =	shalt  }
0x48: {  	_ =	shalt  }
0x49: {  	_ =	shalt  }
0x4a: {  	_ =	shalt  }
0x4b: {  	_ =	shalt  }
0x4c: {  	_ =	shalt  }
0x4d: {  	_ =	shalt  }
0x4e: {  	_ =	shalt  }
0x4f: {  	_ =	shalt  }
0x50: {  	_ =	shalt  }
0x51: {  	_ =	shalt  }
0x52: {  	_ =	shalt  }
0x53: {  	_ =	shalt  }
0x54: {  	_ =	shalt  }
0x55: {  	_ =	shalt  }
0x56: {  	_ =	shalt  }
0x57: {  	_ =	shalt  }
0x58: {  	_ =	shalt  }
0x59: {  	_ =	shalt  }
0x5a: {  	_ =	shalt  }
0x5b: {  	_ =	shalt  }
0x5c: {  	_ =	shalt  }
0x5d: {  	_ =	shalt  }
0x5e: {  	_ =	shalt  }
0x5f: {  	_ =	shalt  }
0x60: {  	_ =	shalt  }
0x61: {  	_ =	shalt  }
0x62: {  	_ =	shalt  }
0x63: {  	_ =	shalt  }
0x64: {  	_ =	shalt  }
0x65: {  	_ =	shalt  }
0x66: {  	_ =	shalt  }
0x67: {  	_ =	shalt  }
0x68: {  	_ =	shalt  }
0x69: {  	_ =	shalt  }
0x6a: {  	_ =	shalt  }
0x6b: {  	_ =	shalt  }
0x6c: {  	_ =	shalt  }
0x6d: {  	_ =	shalt  }
0x6e: {  	_ =	shalt  }
0x6f: {  	_ =	shalt  }
0x70: {  	_ =	shalt  }
0x71: {  	_ =	shalt  }
0x72: {  	_ =	shalt  }
0x73: {  	_ =	shalt  }
0x74: {  	_ =	shalt  }
0x75: {  	_ =	shalt  }
0x76: {  	_ =	shalt  }
0x77: {  	_ =	shalt  }
0x78: {  	_ =	shalt  }
0x79: {  	_ =	shalt  }
0x7a: {  	_ =	shalt  }
0x7b: {  	_ =	shalt  }
0x7c: {  	_ =	shalt  }
0x7d: {  	_ =	shalt  }
0x7e: {  	_ =	shalt  }
0x7f: {  	_ =	shalt  }
0x80: {  	_ =	shalt  }
0x81: {  	_ =	shalt  }
0x82: {  	_ =	shalt  }
0x83: {  	_ =	shalt  }
0x84: {  	_ =	shalt  }
0x85: {  	_ =	shalt  }
0x86: {  	_ =	shalt  }
0x87: {  	_ =	shalt  }
.Lfunc_end0:
.L_simem_size_0:
called_computation_lowered:
.L_overlay_start_0:
0x88: {  	s2 =	sld [smem:$0x3FD9]  }
0x89: {  	s3 =	sld [smem:$0x3FFE];
	_ =	sdelay $0x1  }
0x8a: {  	s1 =	srdreg.scid  }
0x8b: {  	s0 =	sand.u32 $0x1, s1  }
0x8c: {  	s18 =	sshll.u32 s0, $0xA;
	s2 =	sadd.s32 s3, s2  }
0x8d: {  	s2 =	sadd.s32 s2, s18  }
0x8e: {  	[smem:$0x3FC7] =	sst s2  }
0x8f: {  	_ = 	snop  }
0x90: {  	s2 =	sld [smem:$0x3FC9]  }
0x91: {  	s19 =	sld [smem:$0x3FD0];
	(tm) =	ssettm $0x1  }
0x92: {  	s4 =	sld [smem:$0x3FFB];
	_ =	sdelay $0x3  }
0x93: {  	_ =	strace s4  }
0x94: {  	s4 =	sld [smem:$0x3FFC];
	_ =	sdelay $0x3  }
0x95: {  	_ =	strace s4  }
0x96: {  	s4 =	sld [smem:$0x3FFD];
	_ =	sdelay $0x3  }
0x97: {  	_ =	strace s4  }
0x98: {  	_ =	strace $0x8FFFFFFF  }
0x99: {  	s20 =	sld [smem:$0x3FDB];
	_ =	sdelay $0x1  }
0x9a: {  	s5 =	simm.s32 $_scs_section_size  }
0x9b: {  	s6 =	simm.s32 $_size__tile_overlayer_lowered;
	s7 =	simm.s32 $_tile_overlayer_lowered  }
0x9c: {  	s23 =	simm.s32 $0x1BFF;
	s22 =	sshll.u32 s7, $0x1;
	s4 =	sadd.s32 s5, s20  }
0x9d: {  	s8 =	simm.s32 $0x0;
	s21 =	sshll.u32 s6, $0x1;
	s6 =	sadd.s32 s22, s4  }
0x9e: {  	[timem:s8], [sflag:s23] =	dma.local [hbm:s6], s21  }
0x9f: {  	_ =	swait.ge [sflag:s23], s21  }
0xa0: {  	s5 =	ssub.s32 $0x0, s21;
	[sflag:s23] =	ssyncset.done $0x0  }
0xa1: {  	[sflag:s23] =	ssyncadd.s32 s5;
	_ =	sdelay $0x1  }
0xa2: {  	s24 =	simm.s32 $0x1B8B  }
0xa3: {  	_ =	swait.ge [sflag:s24], $0x1  }
0xa4: {  	[sflag:s24] =	ssyncset.done $0x0  }
0xa5: {  	s25 =	simm.s32 $0x1B8E;
	[sflag:s24] =	ssyncadd.s32 $0xFFFFFFFF  }
0xa6: {  	s26 =	simm.s32 $execute0_lowered;
	[smem:$0x3FD2] =	sst s25  }
0xa7: {  	s5 =	sshll.u32 s26, $0x1;
	_ =	strace $0x80000046;
	[dreg:$0x1] =	wrdreg $0xFFFFFFFF  }
0xa8: {  	s28 =	simm.s32 $_size_execute0_lowered;
	s4 =	sadd.s32 s4, s5;
	[dreg:$0x0] =	wrdreg $0x0  }
0xa9: {  	s5 =	sshll.u32 s28, $0x1;
	[dreg:$0x2] =	wrdreg s4  }
0xaa: {  	[dreg:$0x3] =	wrdreg s5  }
0xab: {  	[dreg:$0x4] =	wrdreg $0xC0  }
0xac: {  	_ =	task [dreg:s8], $0x5FFFF  }
0xad: {  	[dreg:$0x1] =	wrdreg $0xFFFFFFFF  }
0xae: {  	[dreg:$0x0] =	wrdreg $0x60  }
0xaf: {  	[dreg:$0x2] =	wrdreg s2  }
0xb0: {  	[dreg:$0x3] =	wrdreg s19  }
0xb1: {  	[dreg:$0x4] =	wrdreg $0x9  }
0xb2: {  	_ =	task.clear_ibuf [dreg:s8], $0x5FFFF;
	_ =	strace $0x90000046  }
0xb3: {  	s29 =	simm.s32 $0x9;
	_ =	strace $0x80000048  }
0xb4: {  	_ =	swait.ge [sflag:s29], $0x1  }
0xb5: {  	[sflag:s29] =	ssyncadd.s32 $0xFFFFFFFF  }
0xb6: {  	_ =	strace $0x90000048  }
0xb7: {  	_ =	sfence  }
0xb8: {  	s30 =	sld [smem:$0x0];
	_ =	sdelay $0x2  }
0xb9: {  	s31 =	sshll.u32 s1, $0xD;
	s1 =	sshrl.u32 s1, $0x2  }
0xba: {  	s3 =	sand.u32 $0x4000, s31;
	s1 =	sadd.s32 s1, s30  }
0xbb: {  	s0 =	sor.u32 s3, s0;
	s1 =	sshll.u32 s1, $0x11  }
0xbc: {  	s0 =	sor.u32 s1, s0  }
0xbd: {  	s0 =	sadd.s32 $0x8F2B, s0  }
0xbe: {  	[sflag:s0] =	ssyncadd.remote.s32 $0x1  }
0xbf: {  	_ =	sfence.sel $0xFFFF  }
0xc0: {  	[dreg:$0x0] =	wrdreg $0xFFFFFFFF;
	(pc) =	sbr.abs _section_cstart, $3  }
0xc1: {  	[dreg:$0x1] =	wrdreg $0xFFFFFFFF  }
0xc2: {  	_ =	task.clear_ibuf [dreg:s8], $0x2FFFF;
	_ =	strace $0x9FFFFFFF  }
0xc3: {  	(tm) =	ssettm $0x7FFFFFFF  }
tec
execute0_lowered:
.L_overlay_start_1:
0x0: {  	(tag) =	ssettag $0x1  }
0x1: {  	s2 =	rddreg [dreg:$0x0];
	s1 =	srdreg.scid  }
0x2: {  	s0 =	stileid.u32;
	s3 =	rddreg [dreg:$0x1];
	s11 =	simm.s32 $0x400  }
0x3: {  	s12 =	simm.s32 $0x7A1400;
	s13 =	simm.s32 $0x1;
	s14 =	simm.s32 $0x6000  }
0x4: {  	s15 =	simm.s32 $0x2;
	s16 =	simm.s32 $0x8000;
	s18 =	simm.s32 $0x4  }
0x5: {  	s19 =	simm.s32 $0x4000;
	s5 =	sand.u32 $0x1, s1;
	s4 =	sshll.u32 s0, $0x1  }
0x6: {  	v0 =	vlaneseq.u32;
	s20 =	simm.s32 $0x5;
	s21 =	simm.s32 $0xA000;
	s17 =	sor.u32 s5, s4  }
0x7: {  	s22 =	simm.s32 $0x0;
	v1 =	vshrl.u32 v0, $0x1;
	s6 =	ssub.s32 $0x2, s5;
	s5 =	smul.u32 $0xF5, s17  }
.Ltmp0:
0x8: {  	s9 =	sadd.s32 $0x7A1000, s3;
	s4 =	simm.s32 $0x0;
	v8 =	vmul.u32 $0x80, v1;
	(pc) =	sbr.rel .LBB2_1-.Ltmp0, $4  }
0x9: {  	[smem:$0x7FF] =	sst s4;
	s7 =	sshrl.u32 s6, $0x1;
	s8 =	smul.u32 $0x7A80, s17  }
0xa: {  	v1 =	vmul.u32 $0x40, v0;
	p0 =	sne.s32 s17, $0x1F;
	s17 =	simm.s32 $0x3;
	_ =	strace $0x80000047;
	v2 =	vor.u32 $0x400, v8  }
0xb: {  	s10 =	ssub.s32 s6, s7;
	v3 =	vor.u32 $0x800, v8;
	v4 =	vor.u32 $0xC00, v8;
	v5 =	vor.u32 $0x1000, v8;
	s31 =	ssub.s32 $0x1E84, s5;
	s7 =	sadd.s32 s2, s8  }
0xc: {  	v6 =	vor.u32 $0x1400, v8;
	v7 =	vor.u32 $0x1800, v8;
	v8 =	vor.u32 $0x1C00, v8;
	s8 =	sadd.s32 $0xF4200, s2;
	s10 =	smax.u32 s10, $0x1;
	s6 =	smin.u32 s31, $0xF5  }
.LBB2_15:
0xd: {  	s22 =	sadd.s32 $0x1, s22  }
0xe: {  	p1 =	sne.s32 s22, s10  }
.Ltmp1:
0xf: {  	_ = 	snop;
	(pc) =	sbr.rel @!p1 .LBB2_16-.Ltmp1, $1  }
0x10: {  	_ =	sdelay $0x3  }
.LBB2_1:
.Ltmp2:
0x11: {  	(pc) =	sbr.rel .LBB2_2-.Ltmp2, $3  }
0x12: {  	_ =	sdelay $0x1  }
0x13: {  	[tilespmem:s4], [sflag:$0x1] =	stream.strided.gather [hbm4b:s7+s11], $0x2000, s12, s11, $0x38;
	[tilespmem:$0xB000] =	vst v63  }
0x14: {  	s23 =	simm.s32 $0x0  }
.LBB2_10:
0x15: {  	s23 =	sadd.s32 $0x1, s23  }
0x16: {  	p1 =	sne.s32 s23, $0x7B  }
.Ltmp3:
0x17: {  	_ = 	snop;
	(pc) =	sbr.rel @!p1 .LBB2_11-.Ltmp3, $1  }
0x18: {  	_ =	sdelay $0x3  }
.LBB2_2:
0x19: {  	s25 =	sshll.u32 s23, $0x1  }
0x1a: {  	p2 =	sge.u32 s25, s6  }
.Ltmp4:
0x1b: {  	_ = 	snop;
	(pc) =	sbr.rel @p2 .LBB2_6-.Ltmp4, $3  }
0x1c: {  	_ =	sdelay $0x1  }
0x1d: {  	s24 =	sshllo.u32 s23, $0x1  }
0x1e: {  	p1 =	sge.u32 s24, s6  }
0x1f: {  	s26 =	sadd.s32 @!p1 s5, s24  }
0x20: {  	s26 =	sshll.u32 @!p1 s26, $0x7  }
0x21: {  	s28 =	simm.s32 @!p1 $0x400;
	s26 =	sand.u32 @!p1 $0x1FFFFF80, s26  }
0x22: {  	s29 =	simm.s32 @!p1 $0x7A1400;
	s30 =	simm.s32 @!p1 $0x2000;
	s26 =	sadd.s32 @!p1 s2, s26  }
0x23: {  	[tilespmem:s30], [sflag:$0x2] =	stream.strided.gather @!p1 [hbm4b:s26+s28], $0x2000, s29, s28, $0x38;
	[tilespmem:$0xB000] =	vst v63  }
0x24: {  	_ =	swait.ge [sflag:s13], $0x2000  }
0x25: {  	p2 =	seq.s32 s23, $0x0;
	[sflag:s13] =	ssyncset.done $0x0  }
0x26: {  	s26 =	simm.s32 @!p2 $0x3;
	[sflag:s13] =	ssyncadd.s32 $0xFFFFE000  }
0x27: {  	s28 =	simm.s32 $0x0;
	_ =	swait.ge @!p2 [sflag:s26], $0x2000  }
0x28: {  	s29 =	simm.s32 $0x2;
	v9 =	vadd.s32 s28, v0;
	s28 =	sand.u32 $0x30, s28;
	[sflag:s26] =	ssyncset.done @!p2 $0x0  }
0x29: {  	v11 =	vadd.s32 s29, v0;
	v9 =	vand.u32 $0xF, v9;
	v10 =	vor.u32 s28, v1;
	s28 =	simm.s32 $0x3;
	[sflag:s26] =	ssyncadd.s32 @!p2 $0xFFFFE000;
	s26 =	simm.s32 $0x100  }
0x2a: {  	v11 =	vand.u32 $0xF, v11;
	v9 =	vor.u32 v9, v10;
	v14 =	vadd.s32 s28, v0;
	v12 =	vld [tilespmem:s26+$0xFFFFFF00]  }
0x2b: {  	v11 =	vor.u32 v11, v10;
	v14 =	vand.u32 $0xF, v14;
	v13 =	vld [tilespmem:s26+$0x0]  }
0x2c: {  	v14 =	vor.u32 v14, v10;
	v17 =	vld [tilespmem:s26+$0x80];
	_ =	sdelay $0x2  }
0x2d: {  	v16 =	vand.u32 $0x7F, v9;
	[tilespmem:v9+s14+$0x0] =	vst.idx.msk $0xffff, v12  }
0x2e: {  	s28 =	simm.s32 $0x1;
	v12 =	vor.u32 v2, v16;
	[tilespmem:v11+s14+$0x0] =	vst.idx.msk $0xffff, v13;
	v13 =	vand.u32 $0x7F, v11;
	v9 =	vld [tilespmem:s26+$0xFFFFFF10]  }
0x2f: {  	v19 =	vadd.s32 s28, v0;
	v15 =	vand.u32 $0x7F, v14;
	[tilespmem:v14+s14+$0x0] =	vst.idx.msk $0xffff, v17;
	v11 =	vld [tilespmem:s26+$0x10];
	v18 =	vor.u32 v2, v13  }
0x30: {  	v14 =	vand.u32 $0xF, v19;
	v19 =	vor.u32 v2, v15;
	v17 =	vld [tilespmem:s26+$0x90]  }
0x31: {  	v20 =	vld [tilespmem:s26+$0xFFFFFF80];
	v10 =	vor.u32 v14, v10;
	_ =	sdelay $0x1  }
0x32: {  	[tilespmem:v12+s14+$0x0] =	vst.idx.msk $0xffff, v9  }
0x33: {  	[tilespmem:v18+s14+$0x0] =	vst.idx.msk $0xffff, v11  }
0x34: {  	v12 =	vor.u32 v3, v16;
	[tilespmem:v19+s14+$0x0] =	vst.idx.msk $0xffff, v17;
	v9 =	vld [tilespmem:s26+$0xFFFFFF20]  }
0x35: {  	v17 =	vand.u32 $0x7F, v10;
	[tilespmem:v10+s14+$0x0] =	vst.idx.msk $0xffff, v20;
	v18 =	vor.u32 v3, v15;
	v10 =	vld [tilespmem:s26+$0xA0]  }
0x36: {  	v11 =	vor.u32 v3, v13;
	v14 =	vld [tilespmem:s26+$0x20];
	_ =	sdelay $0x2  }
0x37: {  	v19 =	vor.u32 v2, v17;
	v20 =	vld [tilespmem:s26+$0xFFFFFF90];
	[tilespmem:v12+s14+$0x0] =	vst.idx.msk $0xffff, v9  }
0x38: {  	v12 =	vor.u32 v4, v16;
	[tilespmem:v18+s14+$0x0] =	vst.idx.msk $0xffff, v10;
	v9 =	vld [tilespmem:s26+$0xFFFFFF30]  }
0x39: {  	[tilespmem:v11+s14+$0x0] =	vst.idx.msk $0xffff, v14;
	v18 =	vor.u32 v4, v15;
	v10 =	vld [tilespmem:s26+$0xB0]  }
0x3a: {  	v14 =	vor.u32 v4, v13;
	v11 =	vld [tilespmem:s26+$0x30]  }
0x3b: {  	s29 =	simm.s32 $0x4  }
0x3c: {  	[tilespmem:v19+s14+$0x0] =	vst.idx.msk $0xffff, v20;
	v20 =	vadd.s32 s29, v0;
	s29 =	sand.u32 $0x30, s29  }
0x3d: {  	s28 =	simm.s32 $0x300;
	v21 =	vor.u32 v3, v17;
	v19 =	vld [tilespmem:s26+$0xFFFFFFA0];
	v20 =	vand.u32 $0xF, v20;
	v22 =	vor.u32 s29, v1;
	[tilespmem:v12+s14+$0x0] =	vst.idx.msk $0xffff, v9  }
0x3e: {  	v23 =	vld [tilespmem:s28+$0xFFFFFF00];
	[tilespmem:v18+s14+$0x0] =	vst.idx.msk $0xffff, v10;
	v10 =	vor.u32 v20, v22  }
0x3f: {  	v12 =	vor.u32 v5, v16;
	[tilespmem:v14+s14+$0x0] =	vst.idx.msk $0xffff, v11;
	v9 =	vld [tilespmem:s26+$0xFFFFFF40]  }
0x40: {  	v14 =	vor.u32 v5, v13;
	v11 =	vld [tilespmem:s26+$0x40]  }
0x41: {  	s30 =	simm.s32 $0x5  }
0x42: {  	v24 =	vadd.s32 s30, v0;
	s29 =	simm.s32 $0x6;
	v20 =	vor.u32 v5, v15;
	[tilespmem:v21+s14+$0x0] =	vst.idx.msk $0xffff, v19;
	v26 =	vld [tilespmem:s26+$0xC0]  }
0x43: {  	s30 =	simm.s32 $0x7;
	v24 =	vand.u32 $0xF, v24;
	v25 =	vadd.s32 s29, v0;
	v21 =	vld [tilespmem:s26+$0xFFFFFFB0];
	[tilespmem:v10+s14+$0x0] =	vst.idx.msk $0xffff, v23;
	v23 =	vor.u32 v4, v17  }
0x44: {  	v27 =	vadd.s32 s30, v0;
	v18 =	vld [tilespmem:s28+$0xFFFFFF80];
	[tilespmem:v12+s14+$0x0] =	vst.idx.msk $0xffff, v9;
	v12 =	vor.u32 v24, v22;
	v9 =	vand.u32 $0xF, v25  }
0x45: {  	v24 =	vld [tilespmem:s28+$0x0];
	[tilespmem:v14+s14+$0x0] =	vst.idx.msk $0xffff, v11;
	v11 =	vor.u32 v9, v22;
	v9 =	vand.u32 $0xF, v27  }
0x46: {  	v14 =	vld [tilespmem:s28+$0x80];
	v22 =	vor.u32 v9, v22  }
0x47: {  	v25 =	vld [tilespmem:s28+$0xFFFFFF10];
	[tilespmem:v20+s14+$0x0] =	vst.idx.msk $0xffff, v26  }
0x48: {  	v19 =	vld [tilespmem:s26+$0x50];
	v27 =	vor.u32 v6, v13;
	v9 =	vand.u32 $0x7F, v10;
	[tilespmem:v23+s14+$0x0] =	vst.idx.msk $0xffff, v21  }
0x49: {  	v10 =	vand.u32 $0x7F, v12;
	v20 =	vor.u32 v2, v9;
	[tilespmem:v12+s14+$0x0] =	vst.idx.msk $0xffff, v18;
	v18 =	vld [tilespmem:s26+$0xFFFFFF50]  }
0x4a: {  	v26 =	vor.u32 v2, v10;
	v28 =	vld [tilespmem:s28+$0xFFFFFF90];
	[tilespmem:v11+s14+$0x0] =	vst.idx.msk $0xffff, v24  }
0x4b: {  	v21 =	vld [tilespmem:s26+$0xFFFFFFC0];
	v11 =	vand.u32 $0x7F, v11;
	[tilespmem:v22+s14+$0x0] =	vst.idx.msk $0xffff, v14;
	v14 =	vor.u32 v6, v16  }
0x4c: {  	v24 =	vld [tilespmem:s28+$0x10];
	v29 =	vor.u32 v2, v11  }
0x4d: {  	v12 =	vand.u32 $0x7F, v22;
	[tilespmem:v27+s14+$0x0] =	vst.idx.msk $0xffff, v19;
	v22 =	vor.u32 v5, v17;
	v30 =	vld [tilespmem:s28+$0x90]  }
0x4e: {  	v19 =	vor.u32 v2, v12;
	[tilespmem:v20+s14+$0x0] =	vst.idx.msk $0xffff, v25;
	v20 =	vld [tilespmem:s26+$0x60]  }
0x4f: {  	v25 =	vor.u32 v3, v9;
	v23 =	vld [tilespmem:s28+$0xFFFFFF20];
	[tilespmem:v26+s14+$0x0] =	vst.idx.msk $0xffff, v28  }
0x50: {  	[tilespmem:v14+s14+$0x0] =	vst.idx.msk $0xffff, v18;
	v14 =	vld [tilespmem:s26+$0xD0];
	v18 =	vor.u32 v6, v15  }
0x51: {  	v26 =	vor.u32 v7, v13;
	[tilespmem:v29+s14+$0x0] =	vst.idx.msk $0xffff, v24;
	v24 =	vld [tilespmem:s26+$0xFFFFFF60]  }
0x52: {  	v27 =	vor.u32 v3, v11;
	[tilespmem:v22+s14+$0x0] =	vst.idx.msk $0xffff, v21;
	v60 =	vld [tilespmem:s28+$0x20]  }
0x53: {  	[tilespmem:v19+s14+$0x0] =	vst.idx.msk $0xffff, v30;
	v19 =	vor.u32 v7, v16;
	v21 =	vld [tilespmem:s26+$0xFFFFFFD0]  }
0x54: {  	[tilespmem:v25+s14+$0x0] =	vst.idx.msk $0xffff, v23;
	v22 =	vld [tilespmem:s28+$0xA0];
	v23 =	vor.u32 v6, v17  }
0x55: {  	v61 =	vor.u32 v3, v12;
	v25 =	vld [tilespmem:s28+$0xFFFFFF30];
	[tilespmem:v18+s14+$0x0] =	vst.idx.msk $0xffff, v14  }
0x56: {  	[tilespmem:v26+s14+$0x0] =	vst.idx.msk $0xffff, v20;
	v26 =	vor.u32 v7, v15;
	v20 =	vld [tilespmem:s26+$0xE0]  }
0x57: {  	v14 =	vor.u32 v4, v9;
	v18 =	vld [tilespmem:s28+$0xFFFFFFA0];
	[tilespmem:v27+s14+$0x0] =	vst.idx.msk $0xffff, v60  }
0x58: {  	v62 =	vor.u32 v4, v11;
	[tilespmem:v19+s14+$0x0] =	vst.idx.msk $0xffff, v24;
	v28 =	vld [tilespmem:s28+$0x30]  }
0x59: {  	v31 =	vor.u32 v8, v13;
	v27 =	vld [tilespmem:s26+$0x70];
	[tilespmem:v23+s14+$0x0] =	vst.idx.msk $0xffff, v21  }
0x5a: {  	v32 =	vor.u32 v7, v17;
	[tilespmem:v61+s14+$0x0] =	vst.idx.msk $0xffff, v22;
	v63 =	vld [tilespmem:s26+$0xFFFFFFE0]  }
0x5b: {  	v19 =	vld [tilespmem:s26+$0xFFFFFF70];
	[tilespmem:v26+s14+$0x0] =	vst.idx.msk $0xffff, v20;
	v20 =	vor.u32 v8, v16  }
0x5c: {  	v24 =	vld [tilespmem:s28+$0xB0];
	[tilespmem:v14+s14+$0x0] =	vst.idx.msk $0xffff, v25;
	v26 =	vor.u32 v4, v12  }
0x5d: {  	v13 =	vor.u32 v8, v17;
	v23 =	vor.u32 v5, v9;
	v21 =	vld [tilespmem:s28+$0xFFFFFF40];
	[tilespmem:v62+s14+$0x0] =	vst.idx.msk $0xffff, v28  }
0x5e: {  	v17 =	vor.u32 v3, v10;
	v25 =	vor.u32 v5, v11;
	[tilespmem:v31+s14+$0x0] =	vst.idx.msk $0xffff, v27;
	v22 =	vld [tilespmem:s28+$0x40]  }
0x5f: {  	s30 =	simm.s32 $0x500;
	s29 =	simm.s32 $0x8;
	v15 =	vor.u32 v8, v15;
	v14 =	vor.u32 v8, v10;
	v16 =	vld [tilespmem:s26+$0xF0];
	[tilespmem:v32+s14+$0x0] =	vst.idx.msk $0xffff, v63  }
.LBB2_4:
0x60: {  	v27 =	vadd.s32 s29, v0;
	s31 =	sand.u32 $0x30, s29;
	s1 =	sadd.s32 $0x1, s29;
	s0 =	sadd.s32 $0x3, s29;
	v28 =	vor.u32 v5, v12;
	[tilespmem:v20+s14+$0x0] =	vst.idx.msk $0xffff, v19;
	v19 =	vld [tilespmem:s26+$0xFFFFFFF0]  }
0x61: {  	p2 =	slt.u32 s29, $0x3C;
	v20 =	vand.u32 $0xF, v27;
	v27 =	vor.u32 s31, v1;
	v29 =	vld [tilespmem:s30+$0xFFFFFF00];
	v30 =	vadd.s32 s1, v0;
	s1 =	sadd.s32 $0x2, s29;
	s29 =	sadd.s32 $0x4, s29;
	[tilespmem:v26+s14+$0x0] =	vst.idx.msk $0xffff, v24  }
0x62: {  	s26 =	smov.u32 s28;
	s28 =	smov.u32 s30;
	v20 =	vor.u32 v20, v27;
	v24 =	vand.u32 $0xF, v30;
	v26 =	vld [tilespmem:s30+$0xFFFFFF80];
	v30 =	vadd.s32 s0, v0;
	[tilespmem:v23+s14+$0x0] =	vst.idx.msk $0xffff, v21  }
0x63: {  	v21 =	vand.u32 $0x7F, v20;
	v23 =	vor.u32 v24, v27;
	v24 =	vadd.s32 s1, v0;
	[tilespmem:v25+s14+$0x0] =	vst.idx.msk $0xffff, v22;
	v22 =	vld [tilespmem:s26+$0xC0]  }
0x64: {  	v24 =	vand.u32 $0xF, v24;
	v25 =	vld [tilespmem:s30+$0x0];
	[tilespmem:v15+s14+$0x0] =	vst.idx.msk $0xffff, v16  }
0x65: {  	v16 =	vand.u32 $0xF, v30;
	v15 =	vor.u32 v24, v27;
	v24 =	vld [tilespmem:s30+$0x80];
	[tilespmem:v13+s14+$0x0] =	vst.idx.msk $0xffff, v19;
	v13 =	vmov v14  }
0x66: {  	v16 =	vor.u32 v16, v27;
	[tilespmem:v17+s14+$0x0] =	vst.idx.msk $0xffff, v18;
	v17 =	vld [tilespmem:s26+$0x50]  }
0x67: {  	v19 =	vor.u32 v4, v10;
	v27 =	vand.u32 $0x7F, v16;
	[tilespmem:v20+s14+$0x0] =	vst.idx.msk $0xffff, v29;
	v18 =	vld [tilespmem:s26+$0xFFFFFFB0]  }
0x68: {  	v31 =	vor.u32 v6, v11;
	v30 =	vand.u32 $0x7F, v23;
	v29 =	vor.u32 v2, v21;
	v20 =	vld [tilespmem:s30+$0xFFFFFF10];
	[tilespmem:v28+s14+$0x0] =	vst.idx.msk $0xffff, v22  }
0x69: {  	v14 =	vor.u32 v8, v30;
	v22 =	vor.u32 v2, v30;
	[tilespmem:v23+s14+$0x0] =	vst.idx.msk $0xffff, v26;
	v23 =	vld [tilespmem:s26+$0xFFFFFF50]  }
0x6a: {  	v26 =	vld [tilespmem:s30+$0xFFFFFF90];
	[tilespmem:v15+s14+$0x0] =	vst.idx.msk $0xffff, v25;
	v15 =	vand.u32 $0x7F, v15  }
0x6b: {  	v25 =	vld [tilespmem:s30+$0x10];
	v28 =	vor.u32 v2, v15;
	[tilespmem:v16+s14+$0x0] =	vst.idx.msk $0xffff, v24;
	v16 =	vor.u32 v6, v9  }
0x6c: {  	v32 =	vor.u32 v2, v27;
	v24 =	vld [tilespmem:s30+$0x90];
	[tilespmem:v19+s14+$0x0] =	vst.idx.msk $0xffff, v18  }
0x6d: {  	v19 =	vor.u32 v5, v10;
	v18 =	vld [tilespmem:s26+$0xFFFFFFC0];
	[tilespmem:v31+s14+$0x0] =	vst.idx.msk $0xffff, v17  }
0x6e: {  	[tilespmem:v29+s14+$0x0] =	vst.idx.msk $0xffff, v20;
	v20 =	vld [tilespmem:s26+$0x60]  }
0x6f: {  	v31 =	vor.u32 v3, v21;
	v17 =	vor.u32 v3, v30;
	v29 =	vld [tilespmem:s30+$0xFFFFFF20];
	[tilespmem:v22+s14+$0x0] =	vst.idx.msk $0xffff, v26  }
0x70: {  	v22 =	vor.u32 v6, v12;
	[tilespmem:v16+s14+$0x0] =	vst.idx.msk $0xffff, v23;
	v16 =	vld [tilespmem:s26+$0xD0]  }
0x71: {  	v26 =	vor.u32 v7, v11;
	v23 =	vor.u32 v3, v15;
	[tilespmem:v28+s14+$0x0] =	vst.idx.msk $0xffff, v25;
	v25 =	vld [tilespmem:s26+$0xFFFFFF60]  }
0x72: {  	v28 =	vld [tilespmem:s30+$0x20];
	[tilespmem:v19+s14+$0x0] =	vst.idx.msk $0xffff, v18  }
0x73: {  	v18 =	vor.u32 v7, v9;
	[tilespmem:v32+s14+$0x0] =	vst.idx.msk $0xffff, v24;
	v19 =	vld [tilespmem:s26+$0xFFFFFFD0]  }
0x74: {  	[tilespmem:v31+s14+$0x0] =	vst.idx.msk $0xffff, v29;
	v24 =	vld [tilespmem:s30+$0xA0];
	v29 =	vor.u32 v6, v10  }
0x75: {  	v32 =	vor.u32 v3, v27;
	v31 =	vld [tilespmem:s30+$0xFFFFFF30];
	[tilespmem:v22+s14+$0x0] =	vst.idx.msk $0xffff, v16  }
0x76: {  	v16 =	vor.u32 v4, v21;
	[tilespmem:v26+s14+$0x0] =	vst.idx.msk $0xffff, v20;
	v22 =	vld [tilespmem:s26+$0xE0]  }
0x77: {  	[tilespmem:v23+s14+$0x0] =	vst.idx.msk $0xffff, v28;
	v28 =	vld [tilespmem:s26+$0x70];
	v23 =	vor.u32 v7, v12  }
0x78: {  	v34 =	vor.u32 v4, v15;
	v33 =	vld [tilespmem:s30+$0x30];
	[tilespmem:v18+s14+$0x0] =	vst.idx.msk $0xffff, v25  }
0x79: {  	v18 =	vld [tilespmem:s30+$0xFFFFFFA0];
	[tilespmem:v29+s14+$0x0] =	vst.idx.msk $0xffff, v19;
	v29 =	vor.u32 v8, v11;
	v11 =	vmov v15  }
0x7a: {  	[tilespmem:v32+s14+$0x0] =	vst.idx.msk $0xffff, v24;
	v15 =	vld [tilespmem:s26+$0xFFFFFFE0];
	v32 =	vor.u32 v7, v10;
	v10 =	vmov v30  }
.Ltmp5:
0x7b: {  	v20 =	vor.u32 v8, v9;
	v9 =	vmov v21;
	[tilespmem:v16+s14+$0x0] =	vst.idx.msk $0xffff, v31;
	v19 =	vld [tilespmem:s26+$0xFFFFFF70];
	(pc) =	sbr.rel @p2 .LBB2_4-.Ltmp5, $4  }
0x7c: {  	v26 =	vor.u32 v4, v27;
	v24 =	vld [tilespmem:s30+$0xB0];
	[tilespmem:v23+s14+$0x0] =	vst.idx.msk $0xffff, v22  }
0x7d: {  	v23 =	vor.u32 v5, v9;
	v21 =	vld [tilespmem:s30+$0xFFFFFF40];
	[tilespmem:v34+s14+$0x0] =	vst.idx.msk $0xffff, v33  }
0x7e: {  	v25 =	vor.u32 v5, v11;
	v22 =	vld [tilespmem:s30+$0x40];
	[tilespmem:v29+s14+$0x0] =	vst.idx.msk $0xffff, v28  }
0x7f: {  	s30 =	sadd.s32 $0x200, s30;
	[tilespmem:v32+s14+$0x0] =	vst.idx.msk $0xffff, v15;
	v16 =	vld [tilespmem:s26+$0xF0];
	v15 =	vor.u32 v8, v12;
	v12 =	vmov v27  }
0x80: {  	_ =	sdelay $0x3  }
0x81: {  	[tilespmem:v17+s14+$0x0] =	vst.idx.msk $0xffff, v18  }
0x82: {  	v47 =	vor.u32 v4, v10;
	v17 =	vld [tilespmem:s28+$0xFFFFFFB0];
	_ =	sdelay $0x3  }
0x83: {  	[tilespmem:v26+s14+$0x0] =	vst.idx.msk $0xffff, v24  }
0x84: {  	v48 =	vor.u32 v5, v12;
	v26 =	vld [tilespmem:s28+$0xC0];
	[tilespmem:v47+s14+$0x0] =	vst.idx.msk $0xffff, v17  }
0x85: {  	v49 =	vor.u32 v5, v10;
	v17 =	vld [tilespmem:s28+$0xFFFFFFC0];
	_ =	sdelay $0x1  }
0x86: {  	[tilespmem:v23+s14+$0x0] =	vst.idx.msk $0xffff, v21  }
0x87: {  	v52 =	vor.u32 v6, v9;
	[tilespmem:v25+s14+$0x0] =	vst.idx.msk $0xffff, v22;
	v23 =	vld [tilespmem:s28+$0xFFFFFF50]  }
0x88: {  	v51 =	vor.u32 v6, v11;
	v50 =	vld [tilespmem:s28+$0x50];
	[tilespmem:v48+s14+$0x0] =	vst.idx.msk $0xffff, v26  }
0x89: {  	v54 =	vor.u32 v6, v12;
	v53 =	vld [tilespmem:s28+$0xD0];
	[tilespmem:v49+s14+$0x0] =	vst.idx.msk $0xffff, v17  }
0x8a: {  	v55 =	vor.u32 v6, v10;
	v17 =	vld [tilespmem:s28+$0xFFFFFFD0];
	_ =	sdelay $0x1  }
0x8b: {  	[tilespmem:v52+s14+$0x0] =	vst.idx.msk $0xffff, v23  }
0x8c: {  	v57 =	vor.u32 v7, v9;
	[tilespmem:v51+s14+$0x0] =	vst.idx.msk $0xffff, v50;
	v23 =	vld [tilespmem:s28+$0xFFFFFF60]  }
0x8d: {  	v56 =	vor.u32 v7, v11;
	v21 =	vld [tilespmem:s28+$0x60];
	[tilespmem:v54+s14+$0x0] =	vst.idx.msk $0xffff, v53  }
0x8e: {  	v58 =	vor.u32 v7, v12;
	v25 =	vld [tilespmem:s28+$0xE0];
	[tilespmem:v55+s14+$0x0] =	vst.idx.msk $0xffff, v17  }
0x8f: {  	v10 =	vor.u32 v7, v10;
	v17 =	vld [tilespmem:s28+$0xFFFFFFE0]  }
0x90: {  	[tilespmem:v20+s14+$0x0] =	vst.idx.msk $0xffff, v19  }
0x91: {  	v59 =	vld [tilespmem:s26+$0xFFFFFFF0];
	[tilespmem:v57+s14+$0x0] =	vst.idx.msk $0xffff, v23  }
0x92: {  	v9 =	vor.u32 v8, v9;
	[tilespmem:v56+s14+$0x0] =	vst.idx.msk $0xffff, v21;
	v61 =	vld [tilespmem:s28+$0xFFFFFF70]  }
0x93: {  	v11 =	vor.u32 v8, v11;
	v60 =	vld [tilespmem:s28+$0x70];
	[tilespmem:v58+s14+$0x0] =	vst.idx.msk $0xffff, v25  }
0x94: {  	v62 =	vor.u32 v8, v12;
	[tilespmem:v10+s14+$0x0] =	vst.idx.msk $0xffff, v17;
	v10 =	vld [tilespmem:s28+$0xF0]  }
0x95: {  	[tilespmem:v15+s14+$0x0] =	vst.idx.msk $0xffff, v16;
	v63 =	vld [tilespmem:s28+$0xFFFFFFF0]  }
0x96: {  	[tilespmem:v13+s14+$0x0] =	vst.idx.msk $0xffff, v59  }
0x97: {  	[tilespmem:v9+s14+$0x0] =	vst.idx.msk $0xffff, v61  }
0x98: {  	s0 =	sadd.s32 s5, s25;
	[tilespmem:v11+s14+$0x0] =	vst.idx.msk $0xffff, v60  }
0x99: {  	s0 =	sshll.u32 s0, $0xA;
	[tilespmem:v62+s14+$0x0] =	vst.idx.msk $0xffff, v10  }
0x9a: {  	s0 =	sadd.s32 s3, s0;
	[tilespmem:v14+s14+$0x0] =	vst.idx.msk $0xffff, v63  }
0x9b: {  	[hbm4b:s0+s4] =	stream.linear.scatter [tilespmem:s14], [sflag:$0x3], $0x2000, $0x38;
	[tilespmem:$0xB000] =	vst v63  }
.LBB2_6:
.Ltmp6:
0x9c: {  	(pc) =	sbr.rel @p1 .LBB2_10-.Ltmp6, $1  }
0x9d: {  	_ =	sdelay $0x3  }
0x9e: {  	s0 =	sadd.s32 $0x2, s25  }
0x9f: {  	p1 =	sge.u32 s0, s6  }
0xa0: {  	s0 =	sadd.s32 @!p1 s5, s0  }
0xa1: {  	s0 =	sshll.u32 @!p1 s0, $0x7  }
0xa2: {  	s1 =	simm.s32 @!p1 $0x400;
	s0 =	sand.u32 @!p1 $0x1FFFFF80, s0  }
0xa3: {  	s25 =	simm.s32 @!p1 $0x7A1400;
	s26 =	simm.s32 @!p1 $0x0;
	s0 =	sadd.s32 @!p1 s2, s0  }
0xa4: {  	[tilespmem:s26], [sflag:$0x1] =	stream.strided.gather @!p1 [hbm4b:s0+s1], $0x2000, s25, s1, $0x38;
	[tilespmem:$0xB000] =	vst v63  }
0xa5: {  	_ =	swait.ge [sflag:s15], $0x2000  }
0xa6: {  	p1 =	seq.s32 s23, $0x0;
	[sflag:s15] =	ssyncset.done $0x0  }
0xa7: {  	s0 =	simm.s32 @!p1 $0x4;
	[sflag:s15] =	ssyncadd.s32 $0xFFFFE000  }
0xa8: {  	s30 =	simm.s32 $0x0;
	_ =	swait.ge @!p1 [sflag:s0], $0x2000  }
0xa9: {  	s31 =	simm.s32 $0x2;
	v9 =	vadd.s32 s30, v0;
	s1 =	sand.u32 $0x30, s30;
	[sflag:s0] =	ssyncset.done @!p1 $0x0  }
0xaa: {  	v11 =	vadd.s32 s31, v0;
	v9 =	vand.u32 $0xF, v9;
	s25 =	simm.s32 $0x2100;
	v10 =	vor.u32 s1, v1;
	s1 =	simm.s32 $0x3;
	[sflag:s0] =	ssyncadd.s32 @!p1 $0xFFFFE000  }
0xab: {  	v11 =	vand.u32 $0xF, v11;
	v9 =	vor.u32 v9, v10;
	v14 =	vadd.s32 s1, v0;
	v12 =	vld [tilespmem:s25+$0xFFFFFF00]  }
0xac: {  	v11 =	vor.u32 v11, v10;
	v14 =	vand.u32 $0xF, v14;
	v13 =	vld [tilespmem:s25+$0x0]  }
0xad: {  	v14 =	vor.u32 v14, v10;
	v17 =	vld [tilespmem:s25+$0x80];
	_ =	sdelay $0x2  }
0xae: {  	v16 =	vand.u32 $0x7F, v9;
	[tilespmem:v9+s16+$0x0] =	vst.idx.msk $0xffff, v12  }
0xaf: {  	s26 =	simm.s32 $0x1;
	v12 =	vor.u32 v2, v16;
	[tilespmem:v11+s16+$0x0] =	vst.idx.msk $0xffff, v13;
	v13 =	vand.u32 $0x7F, v11;
	v9 =	vld [tilespmem:s25+$0xFFFFFF10]  }
0xb0: {  	v19 =	vadd.s32 s26, v0;
	v15 =	vand.u32 $0x7F, v14;
	[tilespmem:v14+s16+$0x0] =	vst.idx.msk $0xffff, v17;
	v11 =	vld [tilespmem:s25+$0x10];
	v18 =	vor.u32 v2, v13  }
0xb1: {  	v14 =	vand.u32 $0xF, v19;
	v19 =	vor.u32 v2, v15;
	v17 =	vld [tilespmem:s25+$0x90]  }
0xb2: {  	v20 =	vld [tilespmem:s25+$0xFFFFFF80];
	v10 =	vor.u32 v14, v10;
	_ =	sdelay $0x1  }
0xb3: {  	[tilespmem:v12+s16+$0x0] =	vst.idx.msk $0xffff, v9  }
0xb4: {  	[tilespmem:v18+s16+$0x0] =	vst.idx.msk $0xffff, v11  }
0xb5: {  	v12 =	vor.u32 v3, v16;
	[tilespmem:v19+s16+$0x0] =	vst.idx.msk $0xffff, v17;
	v9 =	vld [tilespmem:s25+$0xFFFFFF20]  }
0xb6: {  	v17 =	vand.u32 $0x7F, v10;
	[tilespmem:v10+s16+$0x0] =	vst.idx.msk $0xffff, v20;
	v18 =	vor.u32 v3, v15;
	v10 =	vld [tilespmem:s25+$0xA0]  }
0xb7: {  	v11 =	vor.u32 v3, v13;
	v14 =	vld [tilespmem:s25+$0x20];
	_ =	sdelay $0x2  }
0xb8: {  	v19 =	vor.u32 v2, v17;
	v20 =	vld [tilespmem:s25+$0xFFFFFF90];
	[tilespmem:v12+s16+$0x0] =	vst.idx.msk $0xffff, v9  }
0xb9: {  	v12 =	vor.u32 v4, v16;
	[tilespmem:v18+s16+$0x0] =	vst.idx.msk $0xffff, v10;
	v9 =	vld [tilespmem:s25+$0xFFFFFF30]  }
0xba: {  	[tilespmem:v11+s16+$0x0] =	vst.idx.msk $0xffff, v14;
	v18 =	vor.u32 v4, v15;
	v10 =	vld [tilespmem:s25+$0xB0]  }
0xbb: {  	v14 =	vor.u32 v4, v13;
	v11 =	vld [tilespmem:s25+$0x30]  }
0xbc: {  	s30 =	simm.s32 $0x4  }
0xbd: {  	s0 =	sand.u32 $0x30, s30;
	[tilespmem:v19+s16+$0x0] =	vst.idx.msk $0xffff, v20;
	v20 =	vadd.s32 s30, v0  }
0xbe: {  	s26 =	simm.s32 $0x2300;
	v22 =	vor.u32 s0, v1;
	v21 =	vor.u32 v3, v17;
	v19 =	vld [tilespmem:s25+$0xFFFFFFA0];
	v20 =	vand.u32 $0xF, v20;
	[tilespmem:v12+s16+$0x0] =	vst.idx.msk $0xffff, v9  }
0xbf: {  	v23 =	vld [tilespmem:s26+$0xFFFFFF00];
	[tilespmem:v18+s16+$0x0] =	vst.idx.msk $0xffff, v10;
	v10 =	vor.u32 v20, v22  }
0xc0: {  	v12 =	vor.u32 v5, v16;
	[tilespmem:v14+s16+$0x0] =	vst.idx.msk $0xffff, v11;
	v9 =	vld [tilespmem:s25+$0xFFFFFF40]  }
0xc1: {  	v14 =	vor.u32 v5, v13;
	v11 =	vld [tilespmem:s25+$0x40]  }
0xc2: {  	s31 =	simm.s32 $0x5  }
0xc3: {  	v24 =	vadd.s32 s31, v0;
	s30 =	simm.s32 $0x6;
	v20 =	vor.u32 v5, v15;
	[tilespmem:v21+s16+$0x0] =	vst.idx.msk $0xffff, v19;
	v26 =	vld [tilespmem:s25+$0xC0]  }
0xc4: {  	s31 =	simm.s32 $0x7;
	v24 =	vand.u32 $0xF, v24;
	v25 =	vadd.s32 s30, v0;
	v21 =	vld [tilespmem:s25+$0xFFFFFFB0];
	[tilespmem:v10+s16+$0x0] =	vst.idx.msk $0xffff, v23;
	v23 =	vor.u32 v4, v17  }
0xc5: {  	v27 =	vadd.s32 s31, v0;
	v18 =	vld [tilespmem:s26+$0xFFFFFF80];
	[tilespmem:v12+s16+$0x0] =	vst.idx.msk $0xffff, v9;
	v12 =	vor.u32 v24, v22;
	v9 =	vand.u32 $0xF, v25  }
0xc6: {  	v24 =	vld [tilespmem:s26+$0x0];
	[tilespmem:v14+s16+$0x0] =	vst.idx.msk $0xffff, v11;
	v11 =	vor.u32 v9, v22;
	v9 =	vand.u32 $0xF, v27  }
0xc7: {  	v14 =	vld [tilespmem:s26+$0x80];
	v22 =	vor.u32 v9, v22  }
0xc8: {  	v25 =	vld [tilespmem:s26+$0xFFFFFF10];
	[tilespmem:v20+s16+$0x0] =	vst.idx.msk $0xffff, v26  }
0xc9: {  	v19 =	vld [tilespmem:s25+$0x50];
	v27 =	vor.u32 v6, v13;
	v9 =	vand.u32 $0x7F, v10;
	[tilespmem:v23+s16+$0x0] =	vst.idx.msk $0xffff, v21  }
0xca: {  	v10 =	vand.u32 $0x7F, v12;
	v20 =	vor.u32 v2, v9;
	[tilespmem:v12+s16+$0x0] =	vst.idx.msk $0xffff, v18;
	v18 =	vld [tilespmem:s25+$0xFFFFFF50]  }
0xcb: {  	v26 =	vor.u32 v2, v10;
	v28 =	vld [tilespmem:s26+$0xFFFFFF90];
	[tilespmem:v11+s16+$0x0] =	vst.idx.msk $0xffff, v24  }
0xcc: {  	v21 =	vld [tilespmem:s25+$0xFFFFFFC0];
	v11 =	vand.u32 $0x7F, v11;
	[tilespmem:v22+s16+$0x0] =	vst.idx.msk $0xffff, v14;
	v14 =	vor.u32 v6, v16  }
0xcd: {  	v24 =	vld [tilespmem:s26+$0x10];
	v29 =	vor.u32 v2, v11  }
0xce: {  	v12 =	vand.u32 $0x7F, v22;
	[tilespmem:v27+s16+$0x0] =	vst.idx.msk $0xffff, v19;
	v22 =	vor.u32 v5, v17;
	v30 =	vld [tilespmem:s26+$0x90]  }
0xcf: {  	v19 =	vor.u32 v2, v12;
	[tilespmem:v20+s16+$0x0] =	vst.idx.msk $0xffff, v25;
	v20 =	vld [tilespmem:s25+$0x60]  }
0xd0: {  	v25 =	vor.u32 v3, v9;
	v23 =	vld [tilespmem:s26+$0xFFFFFF20];
	[tilespmem:v26+s16+$0x0] =	vst.idx.msk $0xffff, v28  }
0xd1: {  	[tilespmem:v14+s16+$0x0] =	vst.idx.msk $0xffff, v18;
	v14 =	vld [tilespmem:s25+$0xD0];
	v18 =	vor.u32 v6, v15  }
0xd2: {  	v26 =	vor.u32 v7, v13;
	[tilespmem:v29+s16+$0x0] =	vst.idx.msk $0xffff, v24;
	v24 =	vld [tilespmem:s25+$0xFFFFFF60]  }
0xd3: {  	v27 =	vor.u32 v3, v11;
	[tilespmem:v22+s16+$0x0] =	vst.idx.msk $0xffff, v21;
	v60 =	vld [tilespmem:s26+$0x20]  }
0xd4: {  	[tilespmem:v19+s16+$0x0] =	vst.idx.msk $0xffff, v30;
	v19 =	vor.u32 v7, v16;
	v21 =	vld [tilespmem:s25+$0xFFFFFFD0]  }
0xd5: {  	[tilespmem:v25+s16+$0x0] =	vst.idx.msk $0xffff, v23;
	v22 =	vld [tilespmem:s26+$0xA0];
	v23 =	vor.u32 v6, v17  }
0xd6: {  	v61 =	vor.u32 v3, v12;
	v25 =	vld [tilespmem:s26+$0xFFFFFF30];
	[tilespmem:v18+s16+$0x0] =	vst.idx.msk $0xffff, v14  }
0xd7: {  	[tilespmem:v26+s16+$0x0] =	vst.idx.msk $0xffff, v20;
	v26 =	vor.u32 v7, v15;
	v20 =	vld [tilespmem:s25+$0xE0]  }
0xd8: {  	v14 =	vor.u32 v4, v9;
	v18 =	vld [tilespmem:s26+$0xFFFFFFA0];
	[tilespmem:v27+s16+$0x0] =	vst.idx.msk $0xffff, v60  }
0xd9: {  	v62 =	vor.u32 v4, v11;
	[tilespmem:v19+s16+$0x0] =	vst.idx.msk $0xffff, v24;
	v28 =	vld [tilespmem:s26+$0x30]  }
0xda: {  	v31 =	vor.u32 v8, v13;
	v27 =	vld [tilespmem:s25+$0x70];
	[tilespmem:v23+s16+$0x0] =	vst.idx.msk $0xffff, v21  }
0xdb: {  	v32 =	vor.u32 v7, v17;
	[tilespmem:v61+s16+$0x0] =	vst.idx.msk $0xffff, v22;
	v63 =	vld [tilespmem:s25+$0xFFFFFFE0]  }
0xdc: {  	v19 =	vld [tilespmem:s25+$0xFFFFFF70];
	[tilespmem:v26+s16+$0x0] =	vst.idx.msk $0xffff, v20;
	v20 =	vor.u32 v8, v16  }
0xdd: {  	v24 =	vld [tilespmem:s26+$0xB0];
	[tilespmem:v14+s16+$0x0] =	vst.idx.msk $0xffff, v25;
	v26 =	vor.u32 v4, v12  }
0xde: {  	v13 =	vor.u32 v8, v17;
	v23 =	vor.u32 v5, v9;
	v21 =	vld [tilespmem:s26+$0xFFFFFF40];
	[tilespmem:v62+s16+$0x0] =	vst.idx.msk $0xffff, v28  }
0xdf: {  	v17 =	vor.u32 v3, v10;
	v25 =	vor.u32 v5, v11;
	[tilespmem:v31+s16+$0x0] =	vst.idx.msk $0xffff, v27;
	v22 =	vld [tilespmem:s26+$0x40]  }
0xe0: {  	s28 =	simm.s32 $0x8;
	s29 =	simm.s32 $0x2500;
	v15 =	vor.u32 v8, v15;
	v14 =	vor.u32 v8, v10;
	v16 =	vld [tilespmem:s25+$0xF0];
	[tilespmem:v32+s16+$0x0] =	vst.idx.msk $0xffff, v63  }
.LBB2_8:
0xe1: {  	v27 =	vadd.s32 s28, v0;
	s0 =	sand.u32 $0x30, s28;
	s1 =	sadd.s32 $0x1, s28;
	s30 =	sadd.s32 $0x3, s28;
	v28 =	vor.u32 v5, v12;
	[tilespmem:v20+s16+$0x0] =	vst.idx.msk $0xffff, v19;
	v19 =	vld [tilespmem:s25+$0xFFFFFFF0]  }
0xe2: {  	p1 =	slt.u32 s28, $0x3C;
	v20 =	vand.u32 $0xF, v27;
	v27 =	vor.u32 s0, v1;
	v29 =	vld [tilespmem:s29+$0xFFFFFF00];
	v30 =	vadd.s32 s1, v0;
	s0 =	sadd.s32 $0x2, s28;
	s28 =	sadd.s32 $0x4, s28;
	[tilespmem:v26+s16+$0x0] =	vst.idx.msk $0xffff, v24  }
0xe3: {  	s25 =	smov.u32 s26;
	s26 =	smov.u32 s29;
	v20 =	vor.u32 v20, v27;
	v24 =	vand.u32 $0xF, v30;
	v26 =	vld [tilespmem:s29+$0xFFFFFF80];
	v30 =	vadd.s32 s30, v0;
	[tilespmem:v23+s16+$0x0] =	vst.idx.msk $0xffff, v21  }
0xe4: {  	v21 =	vand.u32 $0x7F, v20;
	v23 =	vor.u32 v24, v27;
	v24 =	vadd.s32 s0, v0;
	[tilespmem:v25+s16+$0x0] =	vst.idx.msk $0xffff, v22;
	v22 =	vld [tilespmem:s25+$0xC0]  }
0xe5: {  	v24 =	vand.u32 $0xF, v24;
	v25 =	vld [tilespmem:s29+$0x0];
	[tilespmem:v15+s16+$0x0] =	vst.idx.msk $0xffff, v16  }
0xe6: {  	v16 =	vand.u32 $0xF, v30;
	v15 =	vor.u32 v24, v27;
	v24 =	vld [tilespmem:s29+$0x80];
	[tilespmem:v13+s16+$0x0] =	vst.idx.msk $0xffff, v19;
	v13 =	vmov v14  }
0xe7: {  	v16 =	vor.u32 v16, v27;
	[tilespmem:v17+s16+$0x0] =	vst.idx.msk $0xffff, v18;
	v17 =	vld [tilespmem:s25+$0x50]  }
0xe8: {  	v19 =	vor.u32 v4, v10;
	v27 =	vand.u32 $0x7F, v16;
	[tilespmem:v20+s16+$0x0] =	vst.idx.msk $0xffff, v29;
	v18 =	vld [tilespmem:s25+$0xFFFFFFB0]  }
0xe9: {  	v31 =	vor.u32 v6, v11;
	v30 =	vand.u32 $0x7F, v23;
	v29 =	vor.u32 v2, v21;
	v20 =	vld [tilespmem:s29+$0xFFFFFF10];
	[tilespmem:v28+s16+$0x0] =	vst.idx.msk $0xffff, v22  }
0xea: {  	v14 =	vor.u32 v8, v30;
	v22 =	vor.u32 v2, v30;
	[tilespmem:v23+s16+$0x0] =	vst.idx.msk $0xffff, v26;
	v23 =	vld [tilespmem:s25+$0xFFFFFF50]  }
0xeb: {  	v26 =	vld [tilespmem:s29+$0xFFFFFF90];
	[tilespmem:v15+s16+$0x0] =	vst.idx.msk $0xffff, v25;
	v15 =	vand.u32 $0x7F, v15  }
0xec: {  	v25 =	vld [tilespmem:s29+$0x10];
	v28 =	vor.u32 v2, v15;
	[tilespmem:v16+s16+$0x0] =	vst.idx.msk $0xffff, v24;
	v16 =	vor.u32 v6, v9  }
0xed: {  	v32 =	vor.u32 v2, v27;
	v24 =	vld [tilespmem:s29+$0x90];
	[tilespmem:v19+s16+$0x0] =	vst.idx.msk $0xffff, v18  }
0xee: {  	v19 =	vor.u32 v5, v10;
	v18 =	vld [tilespmem:s25+$0xFFFFFFC0];
	[tilespmem:v31+s16+$0x0] =	vst.idx.msk $0xffff, v17  }
0xef: {  	[tilespmem:v29+s16+$0x0] =	vst.idx.msk $0xffff, v20;
	v20 =	vld [tilespmem:s25+$0x60]  }
0xf0: {  	v31 =	vor.u32 v3, v21;
	v17 =	vor.u32 v3, v30;
	v29 =	vld [tilespmem:s29+$0xFFFFFF20];
	[tilespmem:v22+s16+$0x0] =	vst.idx.msk $0xffff, v26  }
0xf1: {  	v22 =	vor.u32 v6, v12;
	[tilespmem:v16+s16+$0x0] =	vst.idx.msk $0xffff, v23;
	v16 =	vld [tilespmem:s25+$0xD0]  }
0xf2: {  	v26 =	vor.u32 v7, v11;
	v23 =	vor.u32 v3, v15;
	[tilespmem:v28+s16+$0x0] =	vst.idx.msk $0xffff, v25;
	v25 =	vld [tilespmem:s25+$0xFFFFFF60]  }
0xf3: {  	v28 =	vld [tilespmem:s29+$0x20];
	[tilespmem:v19+s16+$0x0] =	vst.idx.msk $0xffff, v18  }
0xf4: {  	v18 =	vor.u32 v7, v9;
	[tilespmem:v32+s16+$0x0] =	vst.idx.msk $0xffff, v24;
	v19 =	vld [tilespmem:s25+$0xFFFFFFD0]  }
0xf5: {  	[tilespmem:v31+s16+$0x0] =	vst.idx.msk $0xffff, v29;
	v24 =	vld [tilespmem:s29+$0xA0];
	v29 =	vor.u32 v6, v10  }
0xf6: {  	v32 =	vor.u32 v3, v27;
	v31 =	vld [tilespmem:s29+$0xFFFFFF30];
	[tilespmem:v22+s16+$0x0] =	vst.idx.msk $0xffff, v16  }
0xf7: {  	v16 =	vor.u32 v4, v21;
	[tilespmem:v26+s16+$0x0] =	vst.idx.msk $0xffff, v20;
	v22 =	vld [tilespmem:s25+$0xE0]  }
0xf8: {  	[tilespmem:v23+s16+$0x0] =	vst.idx.msk $0xffff, v28;
	v28 =	vld [tilespmem:s25+$0x70];
	v23 =	vor.u32 v7, v12  }
0xf9: {  	v34 =	vor.u32 v4, v15;
	v33 =	vld [tilespmem:s29+$0x30];
	[tilespmem:v18+s16+$0x0] =	vst.idx.msk $0xffff, v25  }
0xfa: {  	v18 =	vld [tilespmem:s29+$0xFFFFFFA0];
	[tilespmem:v29+s16+$0x0] =	vst.idx.msk $0xffff, v19;
	v29 =	vor.u32 v8, v11;
	v11 =	vmov v15  }
0xfb: {  	[tilespmem:v32+s16+$0x0] =	vst.idx.msk $0xffff, v24;
	v15 =	vld [tilespmem:s25+$0xFFFFFFE0];
	v32 =	vor.u32 v7, v10;
	v10 =	vmov v30  }
.Ltmp7:
0xfc: {  	v20 =	vor.u32 v8, v9;
	v9 =	vmov v21;
	[tilespmem:v16+s16+$0x0] =	vst.idx.msk $0xffff, v31;
	v19 =	vld [tilespmem:s25+$0xFFFFFF70];
	(pc) =	sbr.rel @p1 .LBB2_8-.Ltmp7, $4  }
0xfd: {  	v26 =	vor.u32 v4, v27;
	v24 =	vld [tilespmem:s29+$0xB0];
	[tilespmem:v23+s16+$0x0] =	vst.idx.msk $0xffff, v22  }
0xfe: {  	v23 =	vor.u32 v5, v9;
	v21 =	vld [tilespmem:s29+$0xFFFFFF40];
	[tilespmem:v34+s16+$0x0] =	vst.idx.msk $0xffff, v33  }
0xff: {  	v25 =	vor.u32 v5, v11;
	v22 =	vld [tilespmem:s29+$0x40];
	[tilespmem:v29+s16+$0x0] =	vst.idx.msk $0xffff, v28  }
0x100: {  	s29 =	sadd.s32 $0x200, s29;
	[tilespmem:v32+s16+$0x0] =	vst.idx.msk $0xffff, v15;
	v16 =	vld [tilespmem:s25+$0xF0];
	v15 =	vor.u32 v8, v12;
	v12 =	vmov v27  }
0x101: {  	_ =	sdelay $0x3  }
0x102: {  	[tilespmem:v17+s16+$0x0] =	vst.idx.msk $0xffff, v18  }
0x103: {  	v47 =	vor.u32 v4, v10;
	v17 =	vld [tilespmem:s26+$0xFFFFFFB0];
	_ =	sdelay $0x3  }
0x104: {  	[tilespmem:v26+s16+$0x0] =	vst.idx.msk $0xffff, v24  }
0x105: {  	v48 =	vor.u32 v5, v12;
	v26 =	vld [tilespmem:s26+$0xC0];
	[tilespmem:v47+s16+$0x0] =	vst.idx.msk $0xffff, v17  }
0x106: {  	v49 =	vor.u32 v5, v10;
	v17 =	vld [tilespmem:s26+$0xFFFFFFC0];
	_ =	sdelay $0x1  }
0x107: {  	[tilespmem:v23+s16+$0x0] =	vst.idx.msk $0xffff, v21  }
0x108: {  	v52 =	vor.u32 v6, v9;
	[tilespmem:v25+s16+$0x0] =	vst.idx.msk $0xffff, v22;
	v23 =	vld [tilespmem:s26+$0xFFFFFF50]  }
0x109: {  	v51 =	vor.u32 v6, v11;
	v50 =	vld [tilespmem:s26+$0x50];
	[tilespmem:v48+s16+$0x0] =	vst.idx.msk $0xffff, v26  }
0x10a: {  	v54 =	vor.u32 v6, v12;
	v53 =	vld [tilespmem:s26+$0xD0];
	[tilespmem:v49+s16+$0x0] =	vst.idx.msk $0xffff, v17  }
0x10b: {  	v55 =	vor.u32 v6, v10;
	v17 =	vld [tilespmem:s26+$0xFFFFFFD0];
	_ =	sdelay $0x1  }
0x10c: {  	[tilespmem:v52+s16+$0x0] =	vst.idx.msk $0xffff, v23  }
0x10d: {  	v57 =	vor.u32 v7, v9;
	[tilespmem:v51+s16+$0x0] =	vst.idx.msk $0xffff, v50;
	v23 =	vld [tilespmem:s26+$0xFFFFFF60]  }
0x10e: {  	v56 =	vor.u32 v7, v11;
	v21 =	vld [tilespmem:s26+$0x60];
	[tilespmem:v54+s16+$0x0] =	vst.idx.msk $0xffff, v53  }
0x10f: {  	v58 =	vor.u32 v7, v12;
	v25 =	vld [tilespmem:s26+$0xE0];
	[tilespmem:v55+s16+$0x0] =	vst.idx.msk $0xffff, v17  }
0x110: {  	v10 =	vor.u32 v7, v10;
	v17 =	vld [tilespmem:s26+$0xFFFFFFE0]  }
0x111: {  	[tilespmem:v20+s16+$0x0] =	vst.idx.msk $0xffff, v19  }
0x112: {  	v59 =	vld [tilespmem:s25+$0xFFFFFFF0];
	[tilespmem:v57+s16+$0x0] =	vst.idx.msk $0xffff, v23  }
0x113: {  	v9 =	vor.u32 v8, v9;
	[tilespmem:v56+s16+$0x0] =	vst.idx.msk $0xffff, v21;
	v61 =	vld [tilespmem:s26+$0xFFFFFF70]  }
0x114: {  	v11 =	vor.u32 v8, v11;
	v60 =	vld [tilespmem:s26+$0x70];
	[tilespmem:v58+s16+$0x0] =	vst.idx.msk $0xffff, v25  }
0x115: {  	v62 =	vor.u32 v8, v12;
	[tilespmem:v10+s16+$0x0] =	vst.idx.msk $0xffff, v17;
	v10 =	vld [tilespmem:s26+$0xF0]  }
0x116: {  	[tilespmem:v15+s16+$0x0] =	vst.idx.msk $0xffff, v16;
	v63 =	vld [tilespmem:s26+$0xFFFFFFF0]  }
0x117: {  	[tilespmem:v13+s16+$0x0] =	vst.idx.msk $0xffff, v59  }
.Ltmp8:
0x118: {  	s0 =	sadd.s32 s5, s24;
	[tilespmem:v9+s16+$0x0] =	vst.idx.msk $0xffff, v61;
	(pc) =	sbr.rel .LBB2_10-.Ltmp8, $4  }
0x119: {  	s0 =	sshll.u32 s0, $0xA;
	[tilespmem:v11+s16+$0x0] =	vst.idx.msk $0xffff, v60  }
0x11a: {  	s0 =	sand.u32 $0x1FFFFC00, s0;
	[tilespmem:v62+s16+$0x0] =	vst.idx.msk $0xffff, v10  }
0x11b: {  	s0 =	sadd.s32 s3, s0;
	[tilespmem:v14+s16+$0x0] =	vst.idx.msk $0xffff, v63  }
0x11c: {  	[hbm4b:s0+s4] =	stream.linear.scatter [tilespmem:s16], [sflag:$0x4], $0x2000, $0x38;
	[tilespmem:$0xB000] =	vst v63  }
.LBB2_11:
0x11d: {  	_ =	swait.ge [sflag:s17], $0x2000  }
.Ltmp9:
0x11e: {  	[sflag:s17] =	ssyncset.done $0x0;
	(pc) =	sbr.rel @p0 .LBB2_15-.Ltmp9, $4  }
0x11f: {  	[sflag:s17] =	ssyncadd.s32 $0xFFFFE000  }
0x120: {  	_ =	swait.ge [sflag:s18], $0x2000  }
0x121: {  	[sflag:s18] =	ssyncset.done $0x0  }
0x122: {  	[sflag:s18] =	ssyncadd.s32 $0xFFFFE000  }
0x123: {  	[tilespmem:s19], [sflag:$0x5] =	stream.strided.gather [hbm4b:s8+s11], $0x2000, s12, s11, $0x38;
	[tilespmem:$0xB000] =	vst v63  }
0x124: {  	s0 =	simm.s32 $0x0  }
0x125: {  	_ =	swait.ge [sflag:s20], $0x2000;
	v9 =	vadd.s32 s0, v0  }
0x126: {  	s0 =	sand.u32 $0x30, s0;
	[sflag:s20] =	ssyncset.done $0x0;
	v9 =	vand.u32 $0xF, v9  }
0x127: {  	s23 =	simm.s32 $0x4020;
	[sflag:s20] =	ssyncadd.s32 $0xFFFFE000;
	v9 =	vor.u32 s0, v9  }
0x128: {  	v9 =	vor.u32 v1, v9;
	v10 =	vld [tilespmem:s23+$0xFFFFFFE0];
	_ =	sdelay $0x4  }
0x129: {  	[tilespmem:v9+s21+$0x0] =	vst.idx.msk $0xffff, v10;
	v10 =	vand.u32 $0x7F, v9  }
0x12a: {  	v9 =	vld [tilespmem:s23+$0xFFFFFFF0];
	v11 =	vor.u32 v2, v10;
	_ =	sdelay $0x4  }
0x12b: {  	[tilespmem:v11+s21+$0x0] =	vst.idx.msk $0xffff, v9  }
0x12c: {  	v11 =	vor.u32 v3, v10;
	v9 =	vld [tilespmem:s23+$0x0];
	_ =	sdelay $0x4  }
0x12d: {  	[tilespmem:v11+s21+$0x0] =	vst.idx.msk $0xffff, v9  }
0x12e: {  	v10 =	vor.u32 v4, v10;
	v9 =	vld [tilespmem:s23+$0x10];
	_ =	sdelay $0x1  }
0x12f: {  	s24 =	simm.s32 $0x1  }
0x130: {  	s25 =	simm.s32 $0x2;
	v11 =	vadd.s32 s24, v0  }
.LBB2_13:
0x131: {  	p1 =	sne.s32 s25, $0x3F;
	v11 =	vand.u32 $0xF, v11;
	s0 =	sand.u32 $0x30, s24;
	s24 =	smov.u32 s25  }
0x132: {  	s23 =	sadd.s32 $0x80, s23;
	v11 =	vor.u32 s0, v11;
	[tilespmem:v10+s21+$0x0] =	vst.idx.msk $0xffff, v9  }
0x133: {  	v9 =	vor.u32 v1, v11;
	v10 =	vld [tilespmem:s23+$0xFFFFFFE0];
	_ =	sdelay $0x4  }
0x134: {  	[tilespmem:v9+s21+$0x0] =	vst.idx.msk $0xffff, v10;
	v10 =	vand.u32 $0x7F, v9  }
0x135: {  	v9 =	vld [tilespmem:s23+$0xFFFFFFF0];
	v11 =	vor.u32 v2, v10;
	_ =	sdelay $0x4  }
0x136: {  	[tilespmem:v11+s21+$0x0] =	vst.idx.msk $0xffff, v9  }
0x137: {  	v11 =	vor.u32 v3, v10;
	v9 =	vld [tilespmem:s23+$0x0];
	_ =	sdelay $0x4  }
.Ltmp10:
0x138: {  	[tilespmem:v11+s21+$0x0] =	vst.idx.msk $0xffff, v9;
	(pc) =	sbr.rel @p1 .LBB2_13-.Ltmp10, $2  }
0x139: {  	v10 =	vor.u32 v4, v10;
	v9 =	vld [tilespmem:s23+$0x10];
	_ =	sdelay $0x2  }
0x13a: {  	s25 =	sadd.s32 $0x1, s25;
	v11 =	vadd.s32 s24, v0  }
0x13b: {  	_ =	sdelay $0x2  }
0x13c: {  	v11 =	vand.u32 $0xF, v11;
	s0 =	sand.u32 $0x30, s24  }
0x13d: {  	s31 =	sadd.s32 $0x80, s23;
	v11 =	vor.u32 s0, v11;
	[tilespmem:v10+s21+$0x0] =	vst.idx.msk $0xffff, v9  }
0x13e: {  	v9 =	vor.u32 v1, v11;
	v10 =	vld [tilespmem:s31+$0xFFFFFFE0];
	_ =	sdelay $0x4  }
0x13f: {  	[tilespmem:v9+s21+$0x0] =	vst.idx.msk $0xffff, v10;
	v9 =	vand.u32 $0x7F, v9  }
0x140: {  	v10 =	vld [tilespmem:s31+$0xFFFFFFF0];
	v11 =	vor.u32 v2, v9;
	_ =	sdelay $0x4  }
0x141: {  	[tilespmem:v11+s21+$0x0] =	vst.idx.msk $0xffff, v10  }
0x142: {  	v11 =	vor.u32 v3, v9;
	v10 =	vld [tilespmem:s31+$0x0];
	_ =	sdelay $0x4  }
0x143: {  	[tilespmem:v11+s21+$0x0] =	vst.idx.msk $0xffff, v10  }
0x144: {  	v9 =	vor.u32 v4, v9;
	v10 =	vld [tilespmem:s31+$0x10];
	_ =	sdelay $0x4  }
.Ltmp11:
0x145: {  	[tilespmem:v9+s21+$0x0] =	vst.idx.msk $0xffff, v10;
	(pc) =	sbr.rel .LBB2_15-.Ltmp11, $4  }
0x146: {  	[hbm4b:s9+s4] =	stream.linear.scatter [tilespmem:s21], [sflag:$0x5], $0x1000, $0x38;
	[tilespmem:$0xB000] =	vst v63  }
0x147: {  	_ =	swait.ge [sflag:s20], $0x1000  }
0x148: {  	[sflag:s20] =	ssyncset.done $0x0  }
0x149: {  	[sflag:s20] =	ssyncadd.s32 $0xFFFFF000  }
.LBB2_16:
0x14a: {  	_ =	sfence.sel $0x180000  }
0x14b: {  	[bflag:$0x0] =	sbarrier.arrive $0xFFFF  }
0x14c: {  	_ =	strace $0x90000047  }
0x14d: {  	s0 =	stileid.u32;
	[bflag:$0x2] =	sbarrier.arrive $0xFFFF  }
0x14e: {  	p0 =	sne.s32 s0, $0x0;
	s0 =	rddreg [dreg:$0x2]  }
0x14f: {  	s0 =	sadd.s32 @!p0 $0x100000, s0  }
0x150: {  	[sflag:s0] =	ssyncadd.tile.s32 @!p0 $0x1;
	_ =	shalt  }
.Lfunc_end2:
_tile_overlayer_lowered:
.L_overlay_start_2:
0x151: {  	(tag) =	ssettag $0x2  }
0x152: {  	s0 =	rddreg [dreg:$0x0];
	s2 =	stileid.u32  }
0x153: {  	s1 =	rddreg [dreg:$0x1];
	p0 =	sne.s32 s2, $0x0  }
0x154: {  	s3 =	rddreg [dreg:$0x2];
	[bflag:$0x3] =	sbarrier.arrive $0xFFFF;
	s2 =	simm.s32 @!p0 $0x1C05  }
0x155: {  	[timem:s3], [sflag:s2] =	dma.local @!p0 [hbm:s0], s1  }
0x156: {  	s0 =	simm.s32 @!p0 $0x5  }
0x157: {  	_ =	swait.ge @!p0 [sflag:s0], s1  }
0x158: {  	s1 =	ssub.s32 @!p0 $0x0, s1;
	[sflag:s0] =	ssyncset.done @!p0 $0x0  }
0x159: {  	[sflag:s0] =	ssyncadd.s32 @!p0 s1  }
0x15a: {  	[bflag:$0x3] =	sbarrier.arrive $0xFFFF  }
0x15b: {  	_ =	shalt  }

</sc_bundles>
